<compile_context>
chip_gen: v7x
topology: tpu7x:2x2x1
jax: 0.10.2.dev20260603
libtpu: 0.0.44.dev20260713+nightly
codegen_flags: <defaults>
</compile_context>

<pallas_src>
import functools

import jax
import jax.numpy as jnp
from jax import lax
from jax.experimental import pallas as pl
from jax.experimental.pallas import tpu as pltpu
from jax.experimental.pallas import tpu_sc as plsc

NC = 2
NS = 16
NW = NC * NS
CH = 128
IBF = 2
PAD = 128


def _sc_mesh():
    return plsc.VectorSubcoreMesh(
        core_axis_name="c", subcore_axis_name="s", num_cores=NC, num_subcores=NS
    )


def _rows_split(total):
    base = (total // NS) // 8 * 8
    last = total - (NS - 1) * base
    assert last % 8 == 0 and last > 0
    return base, last


def _sliced_copy(sid, total, mk_src, mk_dst):
    base, last = _rows_split(total)

    @pl.when(sid < NS - 1)
    def _():
        pltpu.sync_copy(mk_src(sid * base, base), mk_dst(sid * base, base))

    @pl.when(sid == NS - 1)
    def _():
        off = (NS - 1) * base
        pltpu.sync_copy(mk_src(off, last), mk_dst(off, last))


def _sc_degree(dst2d, zeros_cr, n):
    rpw = dst2d.shape[0] // NW
    cr = zeros_cr.shape[0]
    lanes = 16

    @functools.partial(
        pl.kernel,
        out_type=jax.ShapeDtypeStruct((NC, NS, cr, 128), jnp.float32),
        mesh=_sc_mesh(),
        scratch_types=[
            pltpu.VMEM((rpw, CH), jnp.int32),
            pltpu.VMEM((cr, 128), jnp.float32),
        ],
        compiler_params=pltpu.CompilerParams(needs_layout_passes=False),
    )
    def deg_kernel(dst_hbm, z_hbm, out_hbm, idx_v, cnt_v):
        cid = lax.axis_index("c")
        sid = lax.axis_index("s")
        wid = cid * NS + sid
        pltpu.sync_copy(z_hbm, cnt_v)
        pltpu.sync_copy(dst_hbm.at[pl.ds(wid * rpw, rpw)], idx_v)
        ones = jnp.full((lanes,), 1.0, jnp.float32)

        @pl.loop(0, rpw)
        def _(k):
            for j in range(CH // lanes):
                v = idx_v[k, pl.ds(j * lanes, lanes)]
                plsc.addupdate_scatter(
                    cnt_v, [v >> 7, v & 127], ones)

        pltpu.sync_copy(cnt_v, out_hbm.at[cid, sid])

    return deg_kernel(dst2d, zeros_cr)


def _sc_edge_agg(g, src2d, dst2d, zeros_nd):
    n, d = g.shape
    rpw = src2d.shape[0] // NW
    ib = rpw // IBF
    assert ib % 2 == 0 and ib % 8 == 0

    @functools.partial(
        pl.kernel,
        out_type=jax.ShapeDtypeStruct((NC, n, d), jnp.float32),
        mesh=_sc_mesh(),
        scratch_types=[
            pltpu.VMEM((ib, CH), jnp.int32),
            pltpu.VMEM((ib, CH), jnp.int32),
            pltpu.VMEM((CH, d), jnp.float32),
            pltpu.VMEM((CH, d), jnp.float32),
            pltpu.VMEM_SHARED((n + PAD, d), jnp.float32),
            pltpu.SemaphoreType.DMA,
            pltpu.SemaphoreType.DMA,
            pltpu.SemaphoreType.DMA,
            pltpu.SemaphoreType.DMA,
        ],
    )
    def agg_kernel(g_hbm, src_hbm, dst_hbm, z_hbm, out_hbm,
                   isv, idv, rows_a, rows_b, acc_sh,
                   sem_ga, sem_gb, sem_sa, sem_sb):
        cid = lax.axis_index("c")
        sid = lax.axis_index("s")
        wid = cid * NS + sid
        _sliced_copy(sid, n + PAD,
                     lambda o, c: z_hbm.at[pl.ds(o, c)],
                     lambda o, c: acc_sh.at[pl.ds(o, c)])
        plsc.subcore_barrier()

        @pl.loop(0, IBF)
        def _(blk_i):
            base = wid * rpw + blk_i * ib
            pltpu.sync_copy(src_hbm.at[pl.ds(base, ib)], isv)
            pltpu.sync_copy(dst_hbm.at[pl.ds(base, ib)], idv)

            pltpu.async_copy(g_hbm.at[isv.at[0]], rows_a, sem_ga)

            @pl.loop(0, ib, step=2)
            def _(k):
                pltpu.make_async_copy(g_hbm.at[isv.at[k]], rows_a, sem_ga).wait()
                pltpu.async_copy(g_hbm.at[isv.at[k + 1]], rows_b, sem_gb)
                pltpu.sync_copy(rows_a, acc_sh.at[idv.at[k]], add=True)
                pltpu.make_async_copy(
                    g_hbm.at[isv.at[k + 1]], rows_b, sem_gb).wait()

                @pl.when(k + 2 < ib)
                def _():
                    pltpu.async_copy(g_hbm.at[isv.at[k + 2]], rows_a, sem_ga)

                pltpu.sync_copy(rows_b, acc_sh.at[idv.at[k + 1]], add=True)

        plsc.subcore_barrier()
        _sliced_copy(sid, n,
                     lambda o, c: acc_sh.at[pl.ds(o, c)],
                     lambda o, c: out_hbm.at[cid, pl.ds(o, c)])

    return agg_kernel(g, src2d, dst2d, zeros_nd)


def _tc_mm(x, w, b, blk):
    n, d = x.shape

    def body(x_ref, w_ref, b_ref, p_ref):
        h = jnp.dot(x_ref[...], w_ref[...], preferred_element_type=jnp.float32)
        p_ref[...] = h + b_ref[...]

    return pl.pallas_call(
        body,
        grid=(n // blk,),
        in_specs=[
            pl.BlockSpec((blk, d), lambda i: (i, 0)),
            pl.BlockSpec((d, d), lambda i: (0, 0)),
            pl.BlockSpec((1, d), lambda i: (0, 0)),
        ],
        out_specs=pl.BlockSpec((blk, d), lambda i: (i, 0)),
        out_shape=jax.ShapeDtypeStruct((n, d), jnp.float32),
    )(x, w, b)


def _tc_scale(p, dinv, blk):
    n, d = p.shape

    def body(p_ref, dinv_ref, g_ref):
        g_ref[...] = p_ref[...] * dinv_ref[...]

    return pl.pallas_call(
        body,
        grid=(n // blk,),
        in_specs=[
            pl.BlockSpec((blk, d), lambda i: (i, 0)),
            pl.BlockSpec((blk, 1), lambda i: (i, 0)),
        ],
        out_specs=pl.BlockSpec((blk, d), lambda i: (i, 0)),
        out_shape=jax.ShapeDtypeStruct((n, d), jnp.float32),
    )(p, dinv)


def _tc_comb_mm(parts, g1, dinv, w2, b2, blk):
    n, d = g1.shape

    def body(pa_ref, pb_ref, g1_ref, dinv_ref, w_ref, b_ref,
             h1_ref, g2_ref):
        dinv = dinv_ref[...]
        h1 = jnp.maximum(dinv * (pa_ref[0] + pb_ref[0] + g1_ref[...]), 0.0)
        h1_ref[...] = h1
        h = jnp.dot(h1, w_ref[...], preferred_element_type=jnp.float32)
        g2_ref[...] = (h + b_ref[...]) * dinv

    return pl.pallas_call(
        body,
        grid=(n // blk,),
        in_specs=[
            pl.BlockSpec((1, blk, d), lambda i: (0, i, 0)),
            pl.BlockSpec((1, blk, d), lambda i: (1, i, 0)),
            pl.BlockSpec((blk, d), lambda i: (i, 0)),
            pl.BlockSpec((blk, 1), lambda i: (i, 0)),
            pl.BlockSpec((d, d), lambda i: (0, 0)),
            pl.BlockSpec((1, d), lambda i: (0, 0)),
        ],
        out_specs=[
            pl.BlockSpec((blk, d), lambda i: (i, 0)),
            pl.BlockSpec((blk, d), lambda i: (i, 0)),
        ],
        out_shape=[
            jax.ShapeDtypeStruct((n, d), jnp.float32),
            jax.ShapeDtypeStruct((n, d), jnp.float32),
        ],
    )(parts, parts, g1, dinv, w2, b2)


def _tc_comb_head(parts, g2, dinv, h1, wo, bo, blk):
    n, d = g2.shape
    nl = wo.shape[1]

    def body(pa_ref, pb_ref, g2_ref, dinv_ref, h1_ref, w_ref, b_ref,
             out_ref):
        h2 = jnp.maximum(dinv_ref[...] * (pa_ref[0] + pb_ref[0] + g2_ref[...]), 0.0)
        jk = jnp.maximum(h1_ref[...], h2)
        logits = jnp.dot(jk, w_ref[...], preferred_element_type=jnp.float32)
        logits = logits + b_ref[...]
        m = jnp.max(logits, axis=-1, keepdims=True)
        e = jnp.exp(logits - m)
        out_ref[...] = e / jnp.sum(e, axis=-1, keepdims=True)

    return pl.pallas_call(
        body,
        grid=(n // blk,),
        in_specs=[
            pl.BlockSpec((1, blk, d), lambda i: (0, i, 0)),
            pl.BlockSpec((1, blk, d), lambda i: (1, i, 0)),
            pl.BlockSpec((blk, d), lambda i: (i, 0)),
            pl.BlockSpec((blk, 1), lambda i: (i, 0)),
            pl.BlockSpec((blk, d), lambda i: (i, 0)),
            pl.BlockSpec((d, nl), lambda i: (0, 0)),
            pl.BlockSpec((1, nl), lambda i: (0, 0)),
        ],
        out_specs=pl.BlockSpec((blk, nl), lambda i: (i, 0)),
        out_shape=jax.ShapeDtypeStruct((n, nl), jnp.float32),
    )(parts, parts, g2, dinv, h1, wo, bo)


def kernel(x, edge_index, W1, b1, W2, b2, Wo, bo):
    n, d = x.shape
    e = edge_index.shape[1]

    src = edge_index[0].astype(jnp.int32)
    dst = edge_index[1].astype(jnp.int32)

    if e % NW:
        tail = NW - e % NW
        src = jnp.concatenate([src, jnp.zeros((tail,), jnp.int32)])
        dst = jnp.concatenate([dst, jnp.full((tail,), n, jnp.int32)])
        e += tail
    epw = e // NW
    rpw = (-(-epw // CH) + 7) // 8 * 8
    padw = rpw * CH - epw
    ar = jnp.arange(padw, dtype=jnp.int32)
    pad_src = jnp.broadcast_to(ar % n, (NW, padw))
    pad_dst = jnp.broadcast_to(n + ar % PAD, (NW, padw))
    src2d = jnp.concatenate([src.reshape(NW, epw), pad_src], axis=1).reshape(-1, CH)
    dst2d = jnp.concatenate([dst.reshape(NW, epw), pad_dst], axis=1).reshape(-1, CH)

    zeros_nd = jnp.zeros((n + PAD, d), jnp.float32)
    cr = -(-(n + PAD) // 128)
    zeros_cr = jnp.zeros((cr, 128), jnp.float32)

    b1r = b1.reshape(1, d)
    b2r = b2.reshape(1, d)
    bor = bo.reshape(1, -1)

    blk = 2000

    degp = _sc_degree(dst2d, zeros_cr, n)
    degs = jnp.sum(degp, axis=(0, 1)).reshape(-1)[:n]
    dinv = lax.rsqrt(degs + 1.0)[:, None]

    p1m = _tc_mm(x, W1, b1r, blk)
    g1 = _tc_scale(p1m, dinv, blk)
    p1 = _sc_edge_agg(g1, src2d, dst2d, zeros_nd)
    h1, g2 = _tc_comb_mm(p1, g1, dinv, W2, b2r, blk)
    p2 = _sc_edge_agg(g2, src2d, dst2d, zeros_nd)
    return _tc_comb_head(p2, g2, dinv, h1, Wo, bor, blk)

# --- scband reference (transcript-rebuilt; emitter-appended) ---
"""Pipeline reference for scband-gnnmodel-35433480192472 (READ-ONLY COPY).

The authoritative reference and input builder live on the scoring server;
editing this copy changes nothing except your own understanding.
"""

import jax, jax.numpy as jnp
import numpy as np

N_NODES = 10000
N_EDGES = 320000
D_FEAT = 128
N_LABELS = 16


def setup_inputs(seed: int = 0) -> dict:
    key = jax.random.key(seed)
    k1, k2, k3, k4, k5 = jax.random.split(key, 5)
    x = jax.random.normal(k1, (N_NODES, D_FEAT), dtype=jnp.float32)
    edge_index = jax.random.randint(k2, (2, N_EDGES), 0, N_NODES, dtype=jnp.int64)
    s1 = float(1.0 / np.sqrt(D_FEAT))
    W1 = jax.random.normal(k3, (D_FEAT, D_FEAT), dtype=jnp.float32) * s1
    b1 = jnp.zeros((D_FEAT,), dtype=jnp.float32)
    W2 = jax.random.normal(k4, (D_FEAT, D_FEAT), dtype=jnp.float32) * s1
    b2 = jnp.zeros((D_FEAT,), dtype=jnp.float32)
    Wo = jax.random.normal(k5, (D_FEAT, N_LABELS), dtype=jnp.float32) * s1
    bo = jnp.zeros((N_LABELS,), dtype=jnp.float32)
    return {"x": x, "edge_index": edge_index, "W1": W1, "b1": b1, "W2": W2, "b2": b2, "Wo": Wo, "bo": bo}


def reference(x, edge_index, W1, b1, W2, b2, Wo, bo):
    n = x.shape[0]
    src = edge_index[0]
    dst = edge_index[1]
    # add self loops (GCN renormalization trick)
    sl = jnp.arange(n, dtype=edge_index.dtype)
    src2 = jnp.concatenate([src, sl])
    dst2 = jnp.concatenate([dst, sl])
    deg = jax.ops.segment_sum(jnp.ones(src2.shape[0], dtype=x.dtype), dst2, num_segments=n)
    dinv = jax.lax.rsqrt(jnp.maximum(deg, 1.0))
    norm = dinv[src2] * dinv[dst2]

    def gcn_conv(h, W, b):
        h = h @ W + b
        msg = h[src2] * norm[:, None]
        return jax.ops.segment_sum(msg, dst2, num_segments=n)

    h1 = jax.nn.relu(gcn_conv(x, W1, b1))
    h2 = jax.nn.relu(gcn_conv(h1, W2, b2))
    # jumping knowledge: jk_max over layer outputs
    h = jnp.maximum(h1, h2)
    # node-level multi-class prediction head
    logits = h @ Wo + bo
    return jax.nn.softmax(logits, axis=-1)

if __name__ == "__main__":
    import jax
    _d = setup_inputs()
    print(jax.jit(kernel)(*tuple(_d.values())))

</pallas_src>

<mosaic_0001>
#map = affine_map<(d0, d1) -> (0, 0)>
#map1 = affine_map<(d0, d1) -> (0, 0, 0)>
module attributes {stable_mosaic.version = 14 : i64} {
  func.func @agg_kernel(%arg0: i32, %arg1: i32, %arg2: memref<10000x128xf32, #tpu.memory_space<hbm>>, %arg3: memref<2560x128xi32, #tpu.memory_space<hbm>>, %arg4: memref<2560x128xi32, #tpu.memory_space<hbm>>, %arg5: memref<10128x128xf32, #tpu.memory_space<hbm>>, %arg6: memref<2x10000x128xf32, #tpu.memory_space<hbm>>, %arg7: memref<40x128xi32, #tpu.memory_space<vmem>>, %arg8: memref<40x128xi32, #tpu.memory_space<vmem>>, %arg9: memref<128x128xf32, #tpu.memory_space<vmem>>, %arg10: memref<128x128xf32, #tpu.memory_space<vmem>>, %arg11: memref<10128x128xf32, #tpu.memory_space<vmem_shared>>, %arg12: memref<!tpu.dma_semaphore, #tpu.memory_space<semaphore_mem>>, %arg13: memref<!tpu.dma_semaphore, #tpu.memory_space<semaphore_mem>>, %arg14: memref<!tpu.dma_semaphore, #tpu.memory_space<semaphore_mem>>, %arg15: memref<!tpu.dma_semaphore, #tpu.memory_space<semaphore_mem>>) attributes {dimension_semantics = [#tpu.dimension_semantics<core_parallel>, #tpu.dimension_semantics<subcore_parallel>], iteration_bounds = array<i64: 2, 16>, scalar_prefetch = 0 : i64, scratch_operands = 9 : i64, tpu.core_type = #tpu.core_type<sc_vector_subcore>, window_params = [{transform_indices = #map}, {transform_indices = #map}, {transform_indices = #map}, {transform_indices = #map}, {transform_indices = #map1}]} {
    %mul3A = arith.constant 16 : i32
    %mul3A_0 = arith.muli %arg0, %mul3A : i32
    %add3A = arith.addi %mul3A_0, %arg1 : i32
    %lt3A = arith.constant 15 : i32
    %lt3A_1 = arith.cmpi slt, %arg1, %lt3A : i32
    %convert_element_type3A = arith.extui %lt3A_1 : i1 to i32
    %cond3A = arith.constant 0 : i32
    %cond3A_2 = arith.cmpi ne, %convert_element_type3A, %cond3A : i32
    scf.if %cond3A_2 {
      %mul3A_22 = arith.constant 632 : i32
      %mul3A_23 = arith.muli %arg1, %mul3A_22 : i32
      %mul3A_24 = arith.constant 632 : i32
      %mul3A_25 = arith.muli %arg1, %mul3A_24 : i32
      "tpu.region"() ({
        %run_scoped3A = tpu.sem_alloc : memref<!tpu.dma_semaphore, #tpu.memory_space<semaphore_mem>>
        %dma_start3A = arith.constant 0 : i32
        %dma_start3A_26 = tpu.memref_slice %arg11[%mul3A_25, %dma_start3A] : memref<10128x128xf32, #tpu.memory_space<vmem_shared>> -> memref<632x128xf32, #tpu.memory_space<vmem_shared>>
        %dma_start3A_27 = arith.constant 0 : i32
        %dma_start3A_28 = tpu.memref_slice %arg5[%mul3A_23, %dma_start3A_27] : memref<10128x128xf32, #tpu.memory_space<hbm>> -> memref<632x128xf32, #tpu.memory_space<hbm>>
        tpu.enqueue_dma source(%dma_start3A_28 : memref<632x128xf32, #tpu.memory_space<hbm>>) target(%dma_start3A_26 : memref<632x128xf32, #tpu.memory_space<vmem_shared>>) target_semaphore(%run_scoped3A : memref<!tpu.dma_semaphore, #tpu.memory_space<semaphore_mem>>)
        %dma_wait3A = arith.constant 0 : i32
        %dma_wait3A_29 = tpu.memref_slice %arg11[%mul3A_25, %dma_wait3A] : memref<10128x128xf32, #tpu.memory_space<vmem_shared>> -> memref<632x128xf32, #tpu.memory_space<vmem_shared>>
        %dma_wait3A_30 = arith.constant 0 : i32
        %dma_wait3A_31 = tpu.memref_slice %arg5[%mul3A_23, %dma_wait3A_30] : memref<10128x128xf32, #tpu.memory_space<hbm>> -> memref<632x128xf32, #tpu.memory_space<hbm>>
        tpu.wait_dma2 semaphore(%run_scoped3A : memref<!tpu.dma_semaphore, #tpu.memory_space<semaphore_mem>>) src(%dma_wait3A_31 : memref<632x128xf32, #tpu.memory_space<hbm>>) dst(%dma_wait3A_29 : memref<632x128xf32, #tpu.memory_space<vmem_shared>>)
        tpu.yield
      }) : () -> ()
    } else {
    }
    %eq3A = arith.constant 15 : i32
    %eq3A_3 = arith.cmpi eq, %arg1, %eq3A : i32
    %convert_element_type3A_4 = arith.extui %eq3A_3 : i1 to i32
    %cond3A_5 = arith.constant 0 : i32
    %cond3A_6 = arith.cmpi ne, %convert_element_type3A_4, %cond3A_5 : i32
    scf.if %cond3A_6 {
      "tpu.region"() ({
        %run_scoped3A = tpu.sem_alloc : memref<!tpu.dma_semaphore, #tpu.memory_space<semaphore_mem>>
        %dma_start3A = arith.constant 9480 : i32
        %dma_start3A_22 = arith.constant 0 : i32
        %dma_start3A_23 = tpu.memref_slice %arg11[%dma_start3A, %dma_start3A_22] : memref<10128x128xf32, #tpu.memory_space<vmem_shared>> -> memref<648x128xf32, #tpu.memory_space<vmem_shared>>
        %dma_start3A_24 = arith.constant 9480 : i32
        %dma_start3A_25 = arith.constant 0 : i32
        %dma_start3A_26 = tpu.memref_slice %arg5[%dma_start3A_24, %dma_start3A_25] : memref<10128x128xf32, #tpu.memory_space<hbm>> -> memref<648x128xf32, #tpu.memory_space<hbm>>
        tpu.enqueue_dma source(%dma_start3A_26 : memref<648x128xf32, #tpu.memory_space<hbm>>) target(%dma_start3A_23 : memref<648x128xf32, #tpu.memory_space<vmem_shared>>) target_semaphore(%run_scoped3A : memref<!tpu.dma_semaphore, #tpu.memory_space<semaphore_mem>>)
        %dma_wait3A = arith.constant 9480 : i32
        %dma_wait3A_27 = arith.constant 0 : i32
        %dma_wait3A_28 = tpu.memref_slice %arg11[%dma_wait3A, %dma_wait3A_27] : memref<10128x128xf32, #tpu.memory_space<vmem_shared>> -> memref<648x128xf32, #tpu.memory_space<vmem_shared>>
        %dma_wait3A_29 = arith.constant 9480 : i32
        %dma_wait3A_30 = arith.constant 0 : i32
        %dma_wait3A_31 = tpu.memref_slice %arg5[%dma_wait3A_29, %dma_wait3A_30] : memref<10128x128xf32, #tpu.memory_space<hbm>> -> memref<648x128xf32, #tpu.memory_space<hbm>>
        tpu.wait_dma2 semaphore(%run_scoped3A : memref<!tpu.dma_semaphore, #tpu.memory_space<semaphore_mem>>) src(%dma_wait3A_31 : memref<648x128xf32, #tpu.memory_space<hbm>>) dst(%dma_wait3A_28 : memref<648x128xf32, #tpu.memory_space<vmem_shared>>)
        tpu.yield
      }) : () -> ()
    } else {
    }
    %barrier3A = arith.constant 0 : index
    tpu.barrier barrier_id(%barrier3A)
    %scan3A = arith.constant 0 : i32
    %scan3A_7 = arith.constant 2 : i32
    %scan3A_8 = arith.addi %scan3A, %scan3A_7 : i32
    %scan3A_9 = arith.constant 1 : i32
    scf.for %scan3A_22 = %scan3A to %scan3A_8 step %scan3A_9  : i32 {
      %mul3A_23 = arith.constant 1 : i32
      %mul3A_24 = arith.muli %scan3A_22, %mul3A_23 : i32
      %add3A_25 = arith.constant 0 : i32
      %add3A_26 = arith.addi %add3A_25, %mul3A_24 : i32
      %mul3A_27 = arith.constant 80 : i32
      %mul3A_28 = arith.muli %add3A, %mul3A_27 : i32
      %mul3A_29 = arith.constant 40 : i32
      %mul3A_30 = arith.muli %add3A_26, %mul3A_29 : i32
      %add3A_31 = arith.addi %mul3A_28, %mul3A_30 : i32
      "tpu.region"() ({
        %run_scoped3A = tpu.sem_alloc : memref<!tpu.dma_semaphore, #tpu.memory_space<semaphore_mem>>
        %dma_start3A_43 = arith.constant 0 : i32
        %dma_start3A_44 = tpu.memref_slice %arg3[%add3A_31, %dma_start3A_43] : memref<2560x128xi32, #tpu.memory_space<hbm>> -> memref<40x128xi32, #tpu.memory_space<hbm>>
        %dma_start3A_45 = arith.constant 0 : i32
        %dma_start3A_46 = tpu.memref_slice %arg3[%add3A_31, %dma_start3A_45] : memref<2560x128xi32, #tpu.memory_space<hbm>> -> memref<40x128xi32, #tpu.memory_space<hbm>>
        tpu.enqueue_dma source(%dma_start3A_46 : memref<40x128xi32, #tpu.memory_space<hbm>>) target(%arg7 : memref<40x128xi32, #tpu.memory_space<vmem>>) target_semaphore(%run_scoped3A : memref<!tpu.dma_semaphore, #tpu.memory_space<semaphore_mem>>)
        %dma_wait3A = arith.constant 0 : i32
        %dma_wait3A_47 = tpu.memref_slice %arg3[%add3A_31, %dma_wait3A] : memref<2560x128xi32, #tpu.memory_space<hbm>> -> memref<40x128xi32, #tpu.memory_space<hbm>>
        %dma_wait3A_48 = arith.constant 0 : i32
        %dma_wait3A_49 = tpu.memref_slice %arg3[%add3A_31, %dma_wait3A_48] : memref<2560x128xi32, #tpu.memory_space<hbm>> -> memref<40x128xi32, #tpu.memory_space<hbm>>
        tpu.wait_dma2 semaphore(%run_scoped3A : memref<!tpu.dma_semaphore, #tpu.memory_space<semaphore_mem>>) src(%dma_wait3A_49 : memref<40x128xi32, #tpu.memory_space<hbm>>) dst(%arg7 : memref<40x128xi32, #tpu.memory_space<vmem>>)
        tpu.yield
      }) : () -> ()
      "tpu.region"() ({
        %run_scoped3A = tpu.sem_alloc : memref<!tpu.dma_semaphore, #tpu.memory_space<semaphore_mem>>
        %dma_start3A_43 = arith.constant 0 : i32
        %dma_start3A_44 = tpu.memref_slice %arg4[%add3A_31, %dma_start3A_43] : memref<2560x128xi32, #tpu.memory_space<hbm>> -> memref<40x128xi32, #tpu.memory_space<hbm>>
        %dma_start3A_45 = arith.constant 0 : i32
        %dma_start3A_46 = tpu.memref_slice %arg4[%add3A_31, %dma_start3A_45] : memref<2560x128xi32, #tpu.memory_space<hbm>> -> memref<40x128xi32, #tpu.memory_space<hbm>>
        tpu.enqueue_dma source(%dma_start3A_46 : memref<40x128xi32, #tpu.memory_space<hbm>>) target(%arg8 : memref<40x128xi32, #tpu.memory_space<vmem>>) target_semaphore(%run_scoped3A : memref<!tpu.dma_semaphore, #tpu.memory_space<semaphore_mem>>)
        %dma_wait3A = arith.constant 0 : i32
        %dma_wait3A_47 = tpu.memref_slice %arg4[%add3A_31, %dma_wait3A] : memref<2560x128xi32, #tpu.memory_space<hbm>> -> memref<40x128xi32, #tpu.memory_space<hbm>>
        %dma_wait3A_48 = arith.constant 0 : i32
        %dma_wait3A_49 = tpu.memref_slice %arg4[%add3A_31, %dma_wait3A_48] : memref<2560x128xi32, #tpu.memory_space<hbm>> -> memref<40x128xi32, #tpu.memory_space<hbm>>
        tpu.wait_dma2 semaphore(%run_scoped3A : memref<!tpu.dma_semaphore, #tpu.memory_space<semaphore_mem>>) src(%dma_wait3A_49 : memref<40x128xi32, #tpu.memory_space<hbm>>) dst(%arg8 : memref<40x128xi32, #tpu.memory_space<vmem>>)
        tpu.yield
      }) : () -> ()
      %dma_start3A = arith.constant 0 : i32
      %dma_start3A_32 = arith.constant 0 : i32
      %dma_start3A_33 = tpu.memref_slice %arg7[%dma_start3A, %dma_start3A_32] : memref<40x128xi32, #tpu.memory_space<vmem>> -> memref<1x128xi32, #tpu.memory_space<vmem>>
      %dma_start3A_34 = tpu.memref_squeeze %dma_start3A_33 : memref<1x128xi32, #tpu.memory_space<vmem>> -> memref<128xi32, #tpu.memory_space<vmem>>
      %dma_start3A_35 = arith.constant 0 : i32
      %dma_start3A_36 = arith.constant 0 : i32
      %dma_start3A_37 = tpu.memref_slice %arg2[%dma_start3A_35, %dma_start3A_36] : memref<10000x128xf32, #tpu.memory_space<hbm>> -> memref<10000x128xf32, #tpu.memory_space<hbm>>
      tpu.enqueue_indirect_dma source(%dma_start3A_37 : memref<10000x128xf32, #tpu.memory_space<hbm>>) target(%arg9 : memref<128x128xf32, #tpu.memory_space<vmem>>) offsets(%dma_start3A_34 : memref<128xi32, #tpu.memory_space<vmem>>) semaphore(%arg12 : memref<!tpu.dma_semaphore, #tpu.memory_space<semaphore_mem>>)
      %scan3A_38 = arith.constant 0 : i32
      %scan3A_39 = arith.constant 20 : i32
      %scan3A_40 = arith.addi %scan3A_38, %scan3A_39 : i32
      %scan3A_41 = arith.constant 1 : i32
      scf.for %scan3A_43 = %scan3A_38 to %scan3A_40 step %scan3A_41  : i32 {
        %mul3A_44 = arith.constant 2 : i32
        %mul3A_45 = arith.muli %scan3A_43, %mul3A_44 : i32
        %add3A_46 = arith.constant 0 : i32
        %add3A_47 = arith.addi %add3A_46, %mul3A_45 : i32
        %dma_wait3A = arith.constant 0 : i32
        %dma_wait3A_48 = tpu.memref_slice %arg7[%add3A_47, %dma_wait3A] : memref<40x128xi32, #tpu.memory_space<vmem>> -> memref<1x128xi32, #tpu.memory_space<vmem>>
        %dma_wait3A_49 = tpu.memref_squeeze %dma_wait3A_48 : memref<1x128xi32, #tpu.memory_space<vmem>> -> memref<128xi32, #tpu.memory_space<vmem>>
        %dma_wait3A_50 = arith.constant 0 : i32
        %dma_wait3A_51 = arith.constant 0 : i32
        %dma_wait3A_52 = tpu.memref_slice %arg2[%dma_wait3A_50, %dma_wait3A_51] : memref<10000x128xf32, #tpu.memory_space<hbm>> -> memref<10000x128xf32, #tpu.memory_space<hbm>>
        tpu.wait_indirect_dma semaphore(%arg12 : memref<!tpu.dma_semaphore, #tpu.memory_space<semaphore_mem>>) src(%dma_wait3A_52 : memref<10000x128xf32, #tpu.memory_space<hbm>>) dst(%arg9 : memref<128x128xf32, #tpu.memory_space<vmem>>)
        %add3A_53 = arith.constant 1 : i32
        %add3A_54 = arith.addi %add3A_47, %add3A_53 : i32
        %dma_start3A_55 = arith.constant 0 : i32
        %dma_start3A_56 = tpu.memref_slice %arg7[%add3A_54, %dma_start3A_55] : memref<40x128xi32, #tpu.memory_space<vmem>> -> memref<1x128xi32, #tpu.memory_space<vmem>>
        %dma_start3A_57 = tpu.memref_squeeze %dma_start3A_56 : memref<1x128xi32, #tpu.memory_space<vmem>> -> memref<128xi32, #tpu.memory_space<vmem>>
        %dma_start3A_58 = arith.constant 0 : i32
        %dma_start3A_59 = arith.constant 0 : i32
        %dma_start3A_60 = tpu.memref_slice %arg2[%dma_start3A_58, %dma_start3A_59] : memref<10000x128xf32, #tpu.memory_space<hbm>> -> memref<10000x128xf32, #tpu.memory_space<hbm>>
        tpu.enqueue_indirect_dma source(%dma_start3A_60 : memref<10000x128xf32, #tpu.memory_space<hbm>>) target(%arg10 : memref<128x128xf32, #tpu.memory_space<vmem>>) offsets(%dma_start3A_57 : memref<128xi32, #tpu.memory_space<vmem>>) semaphore(%arg13 : memref<!tpu.dma_semaphore, #tpu.memory_space<semaphore_mem>>)
        "tpu.region"() ({
          %run_scoped3A = tpu.sem_alloc : memref<!tpu.dma_semaphore, #tpu.memory_space<semaphore_mem>>
          %dma_start3A_78 = arith.constant 0 : i32
          %dma_start3A_79 = tpu.memref_slice %arg8[%add3A_47, %dma_start3A_78] : memref<40x128xi32, #tpu.memory_space<vmem>> -> memref<1x128xi32, #tpu.memory_space<vmem>>
          %dma_start3A_80 = tpu.memref_squeeze %dma_start3A_79 : memref<1x128xi32, #tpu.memory_space<vmem>> -> memref<128xi32, #tpu.memory_space<vmem>>
          %dma_start3A_81 = arith.constant 0 : i32
          %dma_start3A_82 = arith.constant 0 : i32
          %dma_start3A_83 = tpu.memref_slice %arg11[%dma_start3A_81, %dma_start3A_82] : memref<10128x128xf32, #tpu.memory_space<vmem_shared>> -> memref<10128x128xf32, #tpu.memory_space<vmem_shared>>
          tpu.enqueue_indirect_dma source(%arg9 : memref<128x128xf32, #tpu.memory_space<vmem>>) target(%dma_start3A_83 : memref<10128x128xf32, #tpu.memory_space<vmem_shared>>) offsets(%dma_start3A_80 : memref<128xi32, #tpu.memory_space<vmem>>) semaphore(%run_scoped3A : memref<!tpu.dma_semaphore, #tpu.memory_space<semaphore_mem>>) {add = true}
          %dma_wait3A_84 = arith.constant 0 : i32
          %dma_wait3A_85 = tpu.memref_slice %arg8[%add3A_47, %dma_wait3A_84] : memref<40x128xi32, #tpu.memory_space<vmem>> -> memref<1x128xi32, #tpu.memory_space<vmem>>
          %dma_wait3A_86 = tpu.memref_squeeze %dma_wait3A_85 : memref<1x128xi32, #tpu.memory_space<vmem>> -> memref<128xi32, #tpu.memory_space<vmem>>
          %dma_wait3A_87 = arith.constant 0 : i32
          %dma_wait3A_88 = arith.constant 0 : i32
          %dma_wait3A_89 = tpu.memref_slice %arg11[%dma_wait3A_87, %dma_wait3A_88] : memref<10128x128xf32, #tpu.memory_space<vmem_shared>> -> memref<10128x128xf32, #tpu.memory_space<vmem_shared>>
          tpu.wait_indirect_dma semaphore(%run_scoped3A : memref<!tpu.dma_semaphore, #tpu.memory_space<semaphore_mem>>) src(%arg9 : memref<128x128xf32, #tpu.memory_space<vmem>>) dst(%dma_wait3A_89 : memref<10128x128xf32, #tpu.memory_space<vmem_shared>>)
          tpu.yield
        }) : () -> ()
        %add3A_61 = arith.constant 1 : i32
        %add3A_62 = arith.addi %add3A_47, %add3A_61 : i32
        %dma_wait3A_63 = arith.constant 0 : i32
        %dma_wait3A_64 = tpu.memref_slice %arg7[%add3A_62, %dma_wait3A_63] : memref<40x128xi32, #tpu.memory_space<vmem>> -> memref<1x128xi32, #tpu.memory_space<vmem>>
        %dma_wait3A_65 = tpu.memref_squeeze %dma_wait3A_64 : memref<1x128xi32, #tpu.memory_space<vmem>> -> memref<128xi32, #tpu.memory_space<vmem>>
        %dma_wait3A_66 = arith.constant 0 : i32
        %dma_wait3A_67 = arith.constant 0 : i32
        %dma_wait3A_68 = tpu.memref_slice %arg2[%dma_wait3A_66, %dma_wait3A_67] : memref<10000x128xf32, #tpu.memory_space<hbm>> -> memref<10000x128xf32, #tpu.memory_space<hbm>>
        tpu.wait_indirect_dma semaphore(%arg13 : memref<!tpu.dma_semaphore, #tpu.memory_space<semaphore_mem>>) src(%dma_wait3A_68 : memref<10000x128xf32, #tpu.memory_space<hbm>>) dst(%arg10 : memref<128x128xf32, #tpu.memory_space<vmem>>)
        %add3A_69 = arith.constant 2 : i32
        %add3A_70 = arith.addi %add3A_47, %add3A_69 : i32
        %lt3A_71 = arith.constant 40 : i32
        %lt3A_72 = arith.cmpi slt, %add3A_70, %lt3A_71 : i32
        %convert_element_type3A_73 = arith.extui %lt3A_72 : i1 to i32
        %cond3A_74 = arith.constant 0 : i32
        %cond3A_75 = arith.cmpi ne, %convert_element_type3A_73, %cond3A_74 : i32
        scf.if %cond3A_75 {
          %add3A_78 = arith.constant 2 : i32
          %add3A_79 = arith.addi %add3A_47, %add3A_78 : i32
          %dma_start3A_80 = arith.constant 0 : i32
          %dma_start3A_81 = tpu.memref_slice %arg7[%add3A_79, %dma_start3A_80] : memref<40x128xi32, #tpu.memory_space<vmem>> -> memref<1x128xi32, #tpu.memory_space<vmem>>
          %dma_start3A_82 = tpu.memref_squeeze %dma_start3A_81 : memref<1x128xi32, #tpu.memory_space<vmem>> -> memref<128xi32, #tpu.memory_space<vmem>>
          %dma_start3A_83 = arith.constant 0 : i32
          %dma_start3A_84 = arith.constant 0 : i32
          %dma_start3A_85 = tpu.memref_slice %arg2[%dma_start3A_83, %dma_start3A_84] : memref<10000x128xf32, #tpu.memory_space<hbm>> -> memref<10000x128xf32, #tpu.memory_space<hbm>>
          tpu.enqueue_indirect_dma source(%dma_start3A_85 : memref<10000x128xf32, #tpu.memory_space<hbm>>) target(%arg9 : memref<128x128xf32, #tpu.memory_space<vmem>>) offsets(%dma_start3A_82 : memref<128xi32, #tpu.memory_space<vmem>>) semaphore(%arg12 : memref<!tpu.dma_semaphore, #tpu.memory_space<semaphore_mem>>)
        } else {
        }
        %add3A_76 = arith.constant 1 : i32
        %add3A_77 = arith.addi %add3A_47, %add3A_76 : i32
        "tpu.region"() ({
          %run_scoped3A = tpu.sem_alloc : memref<!tpu.dma_semaphore, #tpu.memory_space<semaphore_mem>>
          %dma_start3A_78 = arith.constant 0 : i32
          %dma_start3A_79 = tpu.memref_slice %arg8[%add3A_77, %dma_start3A_78] : memref<40x128xi32, #tpu.memory_space<vmem>> -> memref<1x128xi32, #tpu.memory_space<vmem>>
          %dma_start3A_80 = tpu.memref_squeeze %dma_start3A_79 : memref<1x128xi32, #tpu.memory_space<vmem>> -> memref<128xi32, #tpu.memory_space<vmem>>
          %dma_start3A_81 = arith.constant 0 : i32
          %dma_start3A_82 = arith.constant 0 : i32
          %dma_start3A_83 = tpu.memref_slice %arg11[%dma_start3A_81, %dma_start3A_82] : memref<10128x128xf32, #tpu.memory_space<vmem_shared>> -> memref<10128x128xf32, #tpu.memory_space<vmem_shared>>
          tpu.enqueue_indirect_dma source(%arg10 : memref<128x128xf32, #tpu.memory_space<vmem>>) target(%dma_start3A_83 : memref<10128x128xf32, #tpu.memory_space<vmem_shared>>) offsets(%dma_start3A_80 : memref<128xi32, #tpu.memory_space<vmem>>) semaphore(%run_scoped3A : memref<!tpu.dma_semaphore, #tpu.memory_space<semaphore_mem>>) {add = true}
          %dma_wait3A_84 = arith.constant 0 : i32
          %dma_wait3A_85 = tpu.memref_slice %arg8[%add3A_77, %dma_wait3A_84] : memref<40x128xi32, #tpu.memory_space<vmem>> -> memref<1x128xi32, #tpu.memory_space<vmem>>
          %dma_wait3A_86 = tpu.memref_squeeze %dma_wait3A_85 : memref<1x128xi32, #tpu.memory_space<vmem>> -> memref<128xi32, #tpu.memory_space<vmem>>
          %dma_wait3A_87 = arith.constant 0 : i32
          %dma_wait3A_88 = arith.constant 0 : i32
          %dma_wait3A_89 = tpu.memref_slice %arg11[%dma_wait3A_87, %dma_wait3A_88] : memref<10128x128xf32, #tpu.memory_space<vmem_shared>> -> memref<10128x128xf32, #tpu.memory_space<vmem_shared>>
          tpu.wait_indirect_dma semaphore(%run_scoped3A : memref<!tpu.dma_semaphore, #tpu.memory_space<semaphore_mem>>) src(%arg10 : memref<128x128xf32, #tpu.memory_space<vmem>>) dst(%dma_wait3A_89 : memref<10128x128xf32, #tpu.memory_space<vmem_shared>>)
          tpu.yield
        }) : () -> ()
      }
      %scan3A_42 = arith.constant 20 : i32
    }
    %scan3A_10 = arith.constant 2 : i32
    %barrier3A_11 = arith.constant 0 : index
    tpu.barrier barrier_id(%barrier3A_11)
    %lt3A_12 = arith.constant 15 : i32
    %lt3A_13 = arith.cmpi slt, %arg1, %lt3A_12 : i32
    %convert_element_type3A_14 = arith.extui %lt3A_13 : i1 to i32
    %cond3A_15 = arith.constant 0 : i32
    %cond3A_16 = arith.cmpi ne, %convert_element_type3A_14, %cond3A_15 : i32
    scf.if %cond3A_16 {
      %mul3A_22 = arith.constant 624 : i32
      %mul3A_23 = arith.muli %arg1, %mul3A_22 : i32
      %mul3A_24 = arith.constant 624 : i32
      %mul3A_25 = arith.muli %arg1, %mul3A_24 : i32
      "tpu.region"() ({
        %run_scoped3A = tpu.sem_alloc : memref<!tpu.dma_semaphore, #tpu.memory_space<semaphore_mem>>
        %dma_start3A = arith.constant 0 : i32
        %dma_start3A_26 = tpu.memref_slice %arg6[%arg0, %mul3A_25, %dma_start3A] : memref<2x10000x128xf32, #tpu.memory_space<hbm>> -> memref<1x624x128xf32, #tpu.memory_space<hbm>>
        %dma_start3A_27 = tpu.memref_squeeze %dma_start3A_26 : memref<1x624x128xf32, #tpu.memory_space<hbm>> -> memref<624x128xf32, #tpu.memory_space<hbm>>
        %dma_start3A_28 = arith.constant 0 : i32
        %dma_start3A_29 = tpu.memref_slice %arg11[%mul3A_23, %dma_start3A_28] : memref<10128x128xf32, #tpu.memory_space<vmem_shared>> -> memref<624x128xf32, #tpu.memory_space<vmem_shared>>
        tpu.enqueue_dma source(%dma_start3A_29 : memref<624x128xf32, #tpu.memory_space<vmem_shared>>) target(%dma_start3A_27 : memref<624x128xf32, #tpu.memory_space<hbm>>) target_semaphore(%run_scoped3A : memref<!tpu.dma_semaphore, #tpu.memory_space<semaphore_mem>>)
        %dma_wait3A = arith.constant 0 : i32
        %dma_wait3A_30 = tpu.memref_slice %arg6[%arg0, %mul3A_25, %dma_wait3A] : memref<2x10000x128xf32, #tpu.memory_space<hbm>> -> memref<1x624x128xf32, #tpu.memory_space<hbm>>
        %dma_wait3A_31 = tpu.memref_squeeze %dma_wait3A_30 : memref<1x624x128xf32, #tpu.memory_space<hbm>> -> memref<624x128xf32, #tpu.memory_space<hbm>>
        %dma_wait3A_32 = arith.constant 0 : i32
        %dma_wait3A_33 = tpu.memref_slice %arg11[%mul3A_23, %dma_wait3A_32] : memref<10128x128xf32, #tpu.memory_space<vmem_shared>> -> memref<624x128xf32, #tpu.memory_space<vmem_shared>>
        tpu.wait_dma2 semaphore(%run_scoped3A : memref<!tpu.dma_semaphore, #tpu.memory_space<semaphore_mem>>) src(%dma_wait3A_33 : memref<624x128xf32, #tpu.memory_space<vmem_shared>>) dst(%dma_wait3A_31 : memref<624x128xf32, #tpu.memory_space<hbm>>)
        tpu.yield
      }) : () -> ()
    } else {
    }
    %eq3A_17 = arith.constant 15 : i32
    %eq3A_18 = arith.cmpi eq, %arg1, %eq3A_17 : i32
    %convert_element_type3A_19 = arith.extui %eq3A_18 : i1 to i32
    %cond3A_20 = arith.constant 0 : i32
    %cond3A_21 = arith.cmpi ne, %convert_element_type3A_19, %cond3A_20 : i32
    scf.if %cond3A_21 {
      "tpu.region"() ({
        %run_scoped3A = tpu.sem_alloc : memref<!tpu.dma_semaphore, #tpu.memory_space<semaphore_mem>>
        %dma_start3A = arith.constant 9360 : i32
        %dma_start3A_22 = arith.constant 0 : i32
        %dma_start3A_23 = tpu.memref_slice %arg6[%arg0, %dma_start3A, %dma_start3A_22] : memref<2x10000x128xf32, #tpu.memory_space<hbm>> -> memref<1x640x128xf32, #tpu.memory_space<hbm>>
        %dma_start3A_24 = tpu.memref_squeeze %dma_start3A_23 : memref<1x640x128xf32, #tpu.memory_space<hbm>> -> memref<640x128xf32, #tpu.memory_space<hbm>>
        %dma_start3A_25 = arith.constant 9360 : i32
        %dma_start3A_26 = arith.constant 0 : i32
        %dma_start3A_27 = tpu.memref_slice %arg11[%dma_start3A_25, %dma_start3A_26] : memref<10128x128xf32, #tpu.memory_space<vmem_shared>> -> memref<640x128xf32, #tpu.memory_space<vmem_shared>>
        tpu.enqueue_dma source(%dma_start3A_27 : memref<640x128xf32, #tpu.memory_space<vmem_shared>>) target(%dma_start3A_24 : memref<640x128xf32, #tpu.memory_space<hbm>>) target_semaphore(%run_scoped3A : memref<!tpu.dma_semaphore, #tpu.memory_space<semaphore_mem>>)
        %dma_wait3A = arith.constant 9360 : i32
        %dma_wait3A_28 = arith.constant 0 : i32
        %dma_wait3A_29 = tpu.memref_slice %arg6[%arg0, %dma_wait3A, %dma_wait3A_28] : memref<2x10000x128xf32, #tpu.memory_space<hbm>> -> memref<1x640x128xf32, #tpu.memory_space<hbm>>
        %dma_wait3A_30 = tpu.memref_squeeze %dma_wait3A_29 : memref<1x640x128xf32, #tpu.memory_space<hbm>> -> memref<640x128xf32, #tpu.memory_space<hbm>>
        %dma_wait3A_31 = arith.constant 9360 : i32
        %dma_wait3A_32 = arith.constant 0 : i32
        %dma_wait3A_33 = tpu.memref_slice %arg11[%dma_wait3A_31, %dma_wait3A_32] : memref<10128x128xf32, #tpu.memory_space<vmem_shared>> -> memref<640x128xf32, #tpu.memory_space<vmem_shared>>
        tpu.wait_dma2 semaphore(%run_scoped3A : memref<!tpu.dma_semaphore, #tpu.memory_space<semaphore_mem>>) src(%dma_wait3A_33 : memref<640x128xf32, #tpu.memory_space<vmem_shared>>) dst(%dma_wait3A_30 : memref<640x128xf32, #tpu.memory_space<hbm>>)
        tpu.yield
      }) : () -> ()
    } else {
    }
    return
  }
}

#map = affine_map<(d0, d1) -> (0, 0)>
#map1 = affine_map<(d0, d1) -> (0, 0, 0, 0)>
module attributes {stable_mosaic.version = 14 : i64} {
  func.func @deg_kernel(%arg0: i32, %arg1: i32, %arg2: memref<2560x128xi32, #tpu.memory_space<hbm>>, %arg3: memref<80x128xf32, #tpu.memory_space<hbm>>, %arg4: memref<2x16x80x128xf32, #tpu.memory_space<hbm>>, %arg5: memref<80x128xi32, #tpu.memory_space<vmem>>, %arg6: memref<80x128xf32, #tpu.memory_space<vmem>>) attributes {dimension_semantics = [#tpu.dimension_semantics<core_parallel>, #tpu.dimension_semantics<subcore_parallel>], iteration_bounds = array<i64: 2, 16>, scalar_prefetch = 0 : i64, scratch_operands = 2 : i64, tpu.core_type = #tpu.core_type<sc_vector_subcore>, window_params = [{transform_indices = #map}, {transform_indices = #map}, {transform_indices = #map1}]} {
    %mul3A = arith.constant 16 : i32
    %mul3A_0 = arith.muli %arg0, %mul3A : i32
    %add3A = arith.addi %mul3A_0, %arg1 : i32
    "tpu.region"() ({
      %run_scoped3A = tpu.sem_alloc : memref<!tpu.dma_semaphore, #tpu.memory_space<semaphore_mem>>
      tpu.enqueue_dma source(%arg3 : memref<80x128xf32, #tpu.memory_space<hbm>>) target(%arg6 : memref<80x128xf32, #tpu.memory_space<vmem>>) target_semaphore(%run_scoped3A : memref<!tpu.dma_semaphore, #tpu.memory_space<semaphore_mem>>)
      tpu.wait_dma2 semaphore(%run_scoped3A : memref<!tpu.dma_semaphore, #tpu.memory_space<semaphore_mem>>) src(%arg3 : memref<80x128xf32, #tpu.memory_space<hbm>>) dst(%arg6 : memref<80x128xf32, #tpu.memory_space<vmem>>)
      tpu.yield
    }) : () -> ()
    %mul3A_1 = arith.constant 80 : i32
    %mul3A_2 = arith.muli %add3A, %mul3A_1 : i32
    "tpu.region"() ({
      %run_scoped3A = tpu.sem_alloc : memref<!tpu.dma_semaphore, #tpu.memory_space<semaphore_mem>>
      %dma_start3A = arith.constant 0 : i32
      %dma_start3A_8 = tpu.memref_slice %arg2[%mul3A_2, %dma_start3A] : memref<2560x128xi32, #tpu.memory_space<hbm>> -> memref<80x128xi32, #tpu.memory_space<hbm>>
      %dma_start3A_9 = arith.constant 0 : i32
      %dma_start3A_10 = tpu.memref_slice %arg2[%mul3A_2, %dma_start3A_9] : memref<2560x128xi32, #tpu.memory_space<hbm>> -> memref<80x128xi32, #tpu.memory_space<hbm>>
      tpu.enqueue_dma source(%dma_start3A_10 : memref<80x128xi32, #tpu.memory_space<hbm>>) target(%arg5 : memref<80x128xi32, #tpu.memory_space<vmem>>) target_semaphore(%run_scoped3A : memref<!tpu.dma_semaphore, #tpu.memory_space<semaphore_mem>>)
      %dma_wait3A = arith.constant 0 : i32
      %dma_wait3A_11 = tpu.memref_slice %arg2[%mul3A_2, %dma_wait3A] : memref<2560x128xi32, #tpu.memory_space<hbm>> -> memref<80x128xi32, #tpu.memory_space<hbm>>
      %dma_wait3A_12 = arith.constant 0 : i32
      %dma_wait3A_13 = tpu.memref_slice %arg2[%mul3A_2, %dma_wait3A_12] : memref<2560x128xi32, #tpu.memory_space<hbm>> -> memref<80x128xi32, #tpu.memory_space<hbm>>
      tpu.wait_dma2 semaphore(%run_scoped3A : memref<!tpu.dma_semaphore, #tpu.memory_space<semaphore_mem>>) src(%dma_wait3A_13 : memref<80x128xi32, #tpu.memory_space<hbm>>) dst(%arg5 : memref<80x128xi32, #tpu.memory_space<vmem>>)
      tpu.yield
    }) : () -> ()
    %broadcast_in_dim3A = arith.constant 1.000000e+00 : f32
    %broadcast_in_dim3A_3 = vector.broadcast %broadcast_in_dim3A : f32 to vector<16xf32>
    %scan3A = arith.constant 0 : i32
    %scan3A_4 = arith.constant 80 : i32
    %scan3A_5 = arith.addi %scan3A, %scan3A_4 : i32
    %scan3A_6 = arith.constant 1 : i32
    scf.for %scan3A_8 = %scan3A to %scan3A_5 step %scan3A_6  : i32 {
      %mul3A_9 = arith.constant 1 : i32
      %mul3A_10 = arith.muli %scan3A_8, %mul3A_9 : i32
      %add3A_11 = arith.constant 0 : i32
      %add3A_12 = arith.addi %add3A_11, %mul3A_10 : i32
      %get3A = arith.index_cast %add3A_12 : i32 to index
      %get3A_13 = arith.constant 0 : index
      %get3A_14 = tpu.vector_load %arg5[%get3A, %get3A_13] {strides = array<i32>} : memref<80x128xi32, #tpu.memory_space<vmem>>, vector<16xi32>,
      %shift_right_arithmetic3A = arith.constant 7 : i32
      %shift_right_arithmetic3A_15 = vector.broadcast %shift_right_arithmetic3A : i32 to vector<16xi32>
      %shift_right_arithmetic3A_16 = arith.shrsi %get3A_14, %shift_right_arithmetic3A_15 : vector<16xi32>
      %and3A = arith.constant 127 : i32
      %and3A_17 = vector.broadcast %and3A : i32 to vector<16xi32>
      %and3A_18 = arith.andi %get3A_14, %and3A_17 : vector<16xi32>
      tpu.vector_store_idx %arg6[%shift_right_arithmetic3A_16, %and3A_18], %broadcast_in_dim3A_3 {add = true} : memref<80x128xf32, #tpu.memory_space<vmem>>[vector<16xi32>, vector<16xi32>], vector<16xf32>,
      %get3A_19 = arith.index_cast %add3A_12 : i32 to index
      %get3A_20 = arith.constant 16 : index
      %get3A_21 = tpu.vector_load %arg5[%get3A_19, %get3A_20] {strides = array<i32>} : memref<80x128xi32, #tpu.memory_space<vmem>>, vector<16xi32>,
      %shift_right_arithmetic3A_22 = arith.constant 7 : i32
      %shift_right_arithmetic3A_23 = vector.broadcast %shift_right_arithmetic3A_22 : i32 to vector<16xi32>
      %shift_right_arithmetic3A_24 = arith.shrsi %get3A_21, %shift_right_arithmetic3A_23 : vector<16xi32>
      %and3A_25 = arith.constant 127 : i32
      %and3A_26 = vector.broadcast %and3A_25 : i32 to vector<16xi32>
      %and3A_27 = arith.andi %get3A_21, %and3A_26 : vector<16xi32>
      tpu.vector_store_idx %arg6[%shift_right_arithmetic3A_24, %and3A_27], %broadcast_in_dim3A_3 {add = true} : memref<80x128xf32, #tpu.memory_space<vmem>>[vector<16xi32>, vector<16xi32>], vector<16xf32>,
      %get3A_28 = arith.index_cast %add3A_12 : i32 to index
      %get3A_29 = arith.constant 32 : index
      %get3A_30 = tpu.vector_load %arg5[%get3A_28, %get3A_29] {strides = array<i32>} : memref<80x128xi32, #tpu.memory_space<vmem>>, vector<16xi32>,
      %shift_right_arithmetic3A_31 = arith.constant 7 : i32
      %shift_right_arithmetic3A_32 = vector.broadcast %shift_right_arithmetic3A_31 : i32 to vector<16xi32>
      %shift_right_arithmetic3A_33 = arith.shrsi %get3A_30, %shift_right_arithmetic3A_32 : vector<16xi32>
      %and3A_34 = arith.constant 127 : i32
      %and3A_35 = vector.broadcast %and3A_34 : i32 to vector<16xi32>
      %and3A_36 = arith.andi %get3A_30, %and3A_35 : vector<16xi32>
      tpu.vector_store_idx %arg6[%shift_right_arithmetic3A_33, %and3A_36], %broadcast_in_dim3A_3 {add = true} : memref<80x128xf32, #tpu.memory_space<vmem>>[vector<16xi32>, vector<16xi32>], vector<16xf32>,
      %get3A_37 = arith.index_cast %add3A_12 : i32 to index
      %get3A_38 = arith.constant 48 : index
      %get3A_39 = tpu.vector_load %arg5[%get3A_37, %get3A_38] {strides = array<i32>} : memref<80x128xi32, #tpu.memory_space<vmem>>, vector<16xi32>,
      %shift_right_arithmetic3A_40 = arith.constant 7 : i32
      %shift_right_arithmetic3A_41 = vector.broadcast %shift_right_arithmetic3A_40 : i32 to vector<16xi32>
      %shift_right_arithmetic3A_42 = arith.shrsi %get3A_39, %shift_right_arithmetic3A_41 : vector<16xi32>
      %and3A_43 = arith.constant 127 : i32
      %and3A_44 = vector.broadcast %and3A_43 : i32 to vector<16xi32>
      %and3A_45 = arith.andi %get3A_39, %and3A_44 : vector<16xi32>
      tpu.vector_store_idx %arg6[%shift_right_arithmetic3A_42, %and3A_45], %broadcast_in_dim3A_3 {add = true} : memref<80x128xf32, #tpu.memory_space<vmem>>[vector<16xi32>, vector<16xi32>], vector<16xf32>,
      %get3A_46 = arith.index_cast %add3A_12 : i32 to index
      %get3A_47 = arith.constant 64 : index
      %get3A_48 = tpu.vector_load %arg5[%get3A_46, %get3A_47] {strides = array<i32>} : memref<80x128xi32, #tpu.memory_space<vmem>>, vector<16xi32>,
      %shift_right_arithmetic3A_49 = arith.constant 7 : i32
      %shift_right_arithmetic3A_50 = vector.broadcast %shift_right_arithmetic3A_49 : i32 to vector<16xi32>
      %shift_right_arithmetic3A_51 = arith.shrsi %get3A_48, %shift_right_arithmetic3A_50 : vector<16xi32>
      %and3A_52 = arith.constant 127 : i32
      %and3A_53 = vector.broadcast %and3A_52 : i32 to vector<16xi32>
      %and3A_54 = arith.andi %get3A_48, %and3A_53 : vector<16xi32>
      tpu.vector_store_idx %arg6[%shift_right_arithmetic3A_51, %and3A_54], %broadcast_in_dim3A_3 {add = true} : memref<80x128xf32, #tpu.memory_space<vmem>>[vector<16xi32>, vector<16xi32>], vector<16xf32>,
      %get3A_55 = arith.index_cast %add3A_12 : i32 to index
      %get3A_56 = arith.constant 80 : index
      %get3A_57 = tpu.vector_load %arg5[%get3A_55, %get3A_56] {strides = array<i32>} : memref<80x128xi32, #tpu.memory_space<vmem>>, vector<16xi32>,
      %shift_right_arithmetic3A_58 = arith.constant 7 : i32
      %shift_right_arithmetic3A_59 = vector.broadcast %shift_right_arithmetic3A_58 : i32 to vector<16xi32>
      %shift_right_arithmetic3A_60 = arith.shrsi %get3A_57, %shift_right_arithmetic3A_59 : vector<16xi32>
      %and3A_61 = arith.constant 127 : i32
      %and3A_62 = vector.broadcast %and3A_61 : i32 to vector<16xi32>
      %and3A_63 = arith.andi %get3A_57, %and3A_62 : vector<16xi32>
      tpu.vector_store_idx %arg6[%shift_right_arithmetic3A_60, %and3A_63], %broadcast_in_dim3A_3 {add = true} : memref<80x128xf32, #tpu.memory_space<vmem>>[vector<16xi32>, vector<16xi32>], vector<16xf32>,
      %get3A_64 = arith.index_cast %add3A_12 : i32 to index
      %get3A_65 = arith.constant 96 : index
      %get3A_66 = tpu.vector_load %arg5[%get3A_64, %get3A_65] {strides = array<i32>} : memref<80x128xi32, #tpu.memory_space<vmem>>, vector<16xi32>,
      %shift_right_arithmetic3A_67 = arith.constant 7 : i32
      %shift_right_arithmetic3A_68 = vector.broadcast %shift_right_arithmetic3A_67 : i32 to vector<16xi32>
      %shift_right_arithmetic3A_69 = arith.shrsi %get3A_66, %shift_right_arithmetic3A_68 : vector<16xi32>
      %and3A_70 = arith.constant 127 : i32
      %and3A_71 = vector.broadcast %and3A_70 : i32 to vector<16xi32>
      %and3A_72 = arith.andi %get3A_66, %and3A_71 : vector<16xi32>
      tpu.vector_store_idx %arg6[%shift_right_arithmetic3A_69, %and3A_72], %broadcast_in_dim3A_3 {add = true} : memref<80x128xf32, #tpu.memory_space<vmem>>[vector<16xi32>, vector<16xi32>], vector<16xf32>,
      %get3A_73 = arith.index_cast %add3A_12 : i32 to index
      %get3A_74 = arith.constant 112 : index
      %get3A_75 = tpu.vector_load %arg5[%get3A_73, %get3A_74] {strides = array<i32>} : memref<80x128xi32, #tpu.memory_space<vmem>>, vector<16xi32>,
      %shift_right_arithmetic3A_76 = arith.constant 7 : i32
      %shift_right_arithmetic3A_77 = vector.broadcast %shift_right_arithmetic3A_76 : i32 to vector<16xi32>
      %shift_right_arithmetic3A_78 = arith.shrsi %get3A_75, %shift_right_arithmetic3A_77 : vector<16xi32>
      %and3A_79 = arith.constant 127 : i32
      %and3A_80 = vector.broadcast %and3A_79 : i32 to vector<16xi32>
      %and3A_81 = arith.andi %get3A_75, %and3A_80 : vector<16xi32>
      tpu.vector_store_idx %arg6[%shift_right_arithmetic3A_78, %and3A_81], %broadcast_in_dim3A_3 {add = true} : memref<80x128xf32, #tpu.memory_space<vmem>>[vector<16xi32>, vector<16xi32>], vector<16xf32>,
    }
    %scan3A_7 = arith.constant 80 : i32
    "tpu.region"() ({
      %run_scoped3A = tpu.sem_alloc : memref<!tpu.dma_semaphore, #tpu.memory_space<semaphore_mem>>
      %dma_start3A = arith.constant 0 : i32
      %dma_start3A_8 = arith.constant 0 : i32
      %dma_start3A_9 = tpu.memref_slice %arg4[%arg0, %arg1, %dma_start3A, %dma_start3A_8] : memref<2x16x80x128xf32, #tpu.memory_space<hbm>> -> memref<1x1x80x128xf32, #tpu.memory_space<hbm>>
      %dma_start3A_10 = tpu.memref_squeeze %dma_start3A_9 : memref<1x1x80x128xf32, #tpu.memory_space<hbm>> -> memref<80x128xf32, #tpu.memory_space<hbm>>
      %dma_start3A_11 = arith.constant 0 : i32
      %dma_start3A_12 = arith.constant 0 : i32
      %dma_start3A_13 = tpu.memref_slice %arg4[%arg0, %arg1, %dma_start3A_11, %dma_start3A_12] : memref<2x16x80x128xf32, #tpu.memory_space<hbm>> -> memref<1x1x80x128xf32, #tpu.memory_space<hbm>>
      %dma_start3A_14 = tpu.memref_squeeze %dma_start3A_13 : memref<1x1x80x128xf32, #tpu.memory_space<hbm>> -> memref<80x128xf32, #tpu.memory_space<hbm>>
      tpu.enqueue_dma source(%arg6 : memref<80x128xf32, #tpu.memory_space<vmem>>) target(%dma_start3A_14 : memref<80x128xf32, #tpu.memory_space<hbm>>) target_semaphore(%run_scoped3A : memref<!tpu.dma_semaphore, #tpu.memory_space<semaphore_mem>>)
      %dma_wait3A = arith.constant 0 : i32
      %dma_wait3A_15 = arith.constant 0 : i32
      %dma_wait3A_16 = tpu.memref_slice %arg4[%arg0, %arg1, %dma_wait3A, %dma_wait3A_15] : memref<2x16x80x128xf32, #tpu.memory_space<hbm>> -> memref<1x1x80x128xf32, #tpu.memory_space<hbm>>
      %dma_wait3A_17 = tpu.memref_squeeze %dma_wait3A_16 : memref<1x1x80x128xf32, #tpu.memory_space<hbm>> -> memref<80x128xf32, #tpu.memory_space<hbm>>
      %dma_wait3A_18 = arith.constant 0 : i32
      %dma_wait3A_19 = arith.constant 0 : i32
      %dma_wait3A_20 = tpu.memref_slice %arg4[%arg0, %arg1, %dma_wait3A_18, %dma_wait3A_19] : memref<2x16x80x128xf32, #tpu.memory_space<hbm>> -> memref<1x1x80x128xf32, #tpu.memory_space<hbm>>
      %dma_wait3A_21 = tpu.memref_squeeze %dma_wait3A_20 : memref<1x1x80x128xf32, #tpu.memory_space<hbm>> -> memref<80x128xf32, #tpu.memory_space<hbm>>
      tpu.wait_dma2 semaphore(%run_scoped3A : memref<!tpu.dma_semaphore, #tpu.memory_space<semaphore_mem>>) src(%arg6 : memref<80x128xf32, #tpu.memory_space<vmem>>) dst(%dma_wait3A_21 : memref<80x128xf32, #tpu.memory_space<hbm>>)
      tpu.yield
    }) : () -> ()
    return
  }
}

#map = affine_map<(d0, d1) -> (0, 0)>
#map1 = affine_map<(d0, d1) -> (0, 0, 0)>
module attributes {stable_mosaic.version = 14 : i64} {
  func.func @agg_kernel(%arg0: i32, %arg1: i32, %arg2: memref<10000x128xf32, #tpu.memory_space<hbm>>, %arg3: memref<2560x128xi32, #tpu.memory_space<hbm>>, %arg4: memref<2560x128xi32, #tpu.memory_space<hbm>>, %arg5: memref<10128x128xf32, #tpu.memory_space<hbm>>, %arg6: memref<2x10000x128xf32, #tpu.memory_space<hbm>>, %arg7: memref<40x128xi32, #tpu.memory_space<vmem>>, %arg8: memref<40x128xi32, #tpu.memory_space<vmem>>, %arg9: memref<128x128xf32, #tpu.memory_space<vmem>>, %arg10: memref<128x128xf32, #tpu.memory_space<vmem>>, %arg11: memref<10128x128xf32, #tpu.memory_space<vmem_shared>>, %arg12: memref<!tpu.dma_semaphore, #tpu.memory_space<semaphore_mem>>, %arg13: memref<!tpu.dma_semaphore, #tpu.memory_space<semaphore_mem>>, %arg14: memref<!tpu.dma_semaphore, #tpu.memory_space<semaphore_mem>>, %arg15: memref<!tpu.dma_semaphore, #tpu.memory_space<semaphore_mem>>) attributes {dimension_semantics = [#tpu.dimension_semantics<core_parallel>, #tpu.dimension_semantics<subcore_parallel>], iteration_bounds = array<i64: 2, 16>, scalar_prefetch = 0 : i64, scratch_operands = 9 : i64, tpu.core_type = #tpu.core_type<sc_vector_subcore>, window_params = [{transform_indices = #map}, {transform_indices = #map}, {transform_indices = #map}, {transform_indices = #map}, {transform_indices = #map1}]} {
    %mul3A = arith.constant 16 : i32
    %mul3A_0 = arith.muli %arg0, %mul3A : i32
    %add3A = arith.addi %mul3A_0, %arg1 : i32
    %lt3A = arith.constant 15 : i32
    %lt3A_1 = arith.cmpi slt, %arg1, %lt3A : i32
    %convert_element_type3A = arith.extui %lt3A_1 : i1 to i32
    %cond3A = arith.constant 0 : i32
    %cond3A_2 = arith.cmpi ne, %convert_element_type3A, %cond3A : i32
    scf.if %cond3A_2 {
      %mul3A_22 = arith.constant 632 : i32
      %mul3A_23 = arith.muli %arg1, %mul3A_22 : i32
      %mul3A_24 = arith.constant 632 : i32
      %mul3A_25 = arith.muli %arg1, %mul3A_24 : i32
      "tpu.region"() ({
        %run_scoped3A = tpu.sem_alloc : memref<!tpu.dma_semaphore, #tpu.memory_space<semaphore_mem>>
        %dma_start3A = arith.constant 0 : i32
        %dma_start3A_26 = tpu.memref_slice %arg11[%mul3A_25, %dma_start3A] : memref<10128x128xf32, #tpu.memory_space<vmem_shared>> -> memref<632x128xf32, #tpu.memory_space<vmem_shared>>
        %dma_start3A_27 = arith.constant 0 : i32
        %dma_start3A_28 = tpu.memref_slice %arg5[%mul3A_23, %dma_start3A_27] : memref<10128x128xf32, #tpu.memory_space<hbm>> -> memref<632x128xf32, #tpu.memory_space<hbm>>
        tpu.enqueue_dma source(%dma_start3A_28 : memref<632x128xf32, #tpu.memory_space<hbm>>) target(%dma_start3A_26 : memref<632x128xf32, #tpu.memory_space<vmem_shared>>) target_semaphore(%run_scoped3A : memref<!tpu.dma_semaphore, #tpu.memory_space<semaphore_mem>>)
        %dma_wait3A = arith.constant 0 : i32
        %dma_wait3A_29 = tpu.memref_slice %arg11[%mul3A_25, %dma_wait3A] : memref<10128x128xf32, #tpu.memory_space<vmem_shared>> -> memref<632x128xf32, #tpu.memory_space<vmem_shared>>
        %dma_wait3A_30 = arith.constant 0 : i32
        %dma_wait3A_31 = tpu.memref_slice %arg5[%mul3A_23, %dma_wait3A_30] : memref<10128x128xf32, #tpu.memory_space<hbm>> -> memref<632x128xf32, #tpu.memory_space<hbm>>
        tpu.wait_dma2 semaphore(%run_scoped3A : memref<!tpu.dma_semaphore, #tpu.memory_space<semaphore_mem>>) src(%dma_wait3A_31 : memref<632x128xf32, #tpu.memory_space<hbm>>) dst(%dma_wait3A_29 : memref<632x128xf32, #tpu.memory_space<vmem_shared>>)
        tpu.yield
      }) : () -> ()
    } else {
    }
    %eq3A = arith.constant 15 : i32
    %eq3A_3 = arith.cmpi eq, %arg1, %eq3A : i32
    %convert_element_type3A_4 = arith.extui %eq3A_3 : i1 to i32
    %cond3A_5 = arith.constant 0 : i32
    %cond3A_6 = arith.cmpi ne, %convert_element_type3A_4, %cond3A_5 : i32
    scf.if %cond3A_6 {
      "tpu.region"() ({
        %run_scoped3A = tpu.sem_alloc : memref<!tpu.dma_semaphore, #tpu.memory_space<semaphore_mem>>
        %dma_start3A = arith.constant 9480 : i32
        %dma_start3A_22 = arith.constant 0 : i32
        %dma_start3A_23 = tpu.memref_slice %arg11[%dma_start3A, %dma_start3A_22] : memref<10128x128xf32, #tpu.memory_space<vmem_shared>> -> memref<648x128xf32, #tpu.memory_space<vmem_shared>>
        %dma_start3A_24 = arith.constant 9480 : i32
        %dma_start3A_25 = arith.constant 0 : i32
        %dma_start3A_26 = tpu.memref_slice %arg5[%dma_start3A_24, %dma_start3A_25] : memref<10128x128xf32, #tpu.memory_space<hbm>> -> memref<648x128xf32, #tpu.memory_space<hbm>>
        tpu.enqueue_dma source(%dma_start3A_26 : memref<648x128xf32, #tpu.memory_space<hbm>>) target(%dma_start3A_23 : memref<648x128xf32, #tpu.memory_space<vmem_shared>>) target_semaphore(%run_scoped3A : memref<!tpu.dma_semaphore, #tpu.memory_space<semaphore_mem>>)
        %dma_wait3A = arith.constant 9480 : i32
        %dma_wait3A_27 = arith.constant 0 : i32
        %dma_wait3A_28 = tpu.memref_slice %arg11[%dma_wait3A, %dma_wait3A_27] : memref<10128x128xf32, #tpu.memory_space<vmem_shared>> -> memref<648x128xf32, #tpu.memory_space<vmem_shared>>
        %dma_wait3A_29 = arith.constant 9480 : i32
        %dma_wait3A_30 = arith.constant 0 : i32
        %dma_wait3A_31 = tpu.memref_slice %arg5[%dma_wait3A_29, %dma_wait3A_30] : memref<10128x128xf32, #tpu.memory_space<hbm>> -> memref<648x128xf32, #tpu.memory_space<hbm>>
        tpu.wait_dma2 semaphore(%run_scoped3A : memref<!tpu.dma_semaphore, #tpu.memory_space<semaphore_mem>>) src(%dma_wait3A_31 : memref<648x128xf32, #tpu.memory_space<hbm>>) dst(%dma_wait3A_28 : memref<648x128xf32, #tpu.memory_space<vmem_shared>>)
        tpu.yield
      }) : () -> ()
    } else {
    }
    %barrier3A = arith.constant 0 : index
    tpu.barrier barrier_id(%barrier3A)
    %scan3A = arith.constant 0 : i32
    %scan3A_7 = arith.constant 2 : i32
    %scan3A_8 = arith.addi %scan3A, %scan3A_7 : i32
    %scan3A_9 = arith.constant 1 : i32
    scf.for %scan3A_22 = %scan3A to %scan3A_8 step %scan3A_9  : i32 {
      %mul3A_23 = arith.constant 1 : i32
      %mul3A_24 = arith.muli %scan3A_22, %mul3A_23 : i32
      %add3A_25 = arith.constant 0 : i32
      %add3A_26 = arith.addi %add3A_25, %mul3A_24 : i32
      %mul3A_27 = arith.constant 80 : i32
      %mul3A_28 = arith.muli %add3A, %mul3A_27 : i32
      %mul3A_29 = arith.constant 40 : i32
      %mul3A_30 = arith.muli %add3A_26, %mul3A_29 : i32
      %add3A_31 = arith.addi %mul3A_28, %mul3A_30 : i32
      "tpu.region"() ({
        %run_scoped3A = tpu.sem_alloc : memref<!tpu.dma_semaphore, #tpu.memory_space<semaphore_mem>>
        %dma_start3A_43 = arith.constant 0 : i32
        %dma_start3A_44 = tpu.memref_slice %arg3[%add3A_31, %dma_start3A_43] : memref<2560x128xi32, #tpu.memory_space<hbm>> -> memref<40x128xi32, #tpu.memory_space<hbm>>
        %dma_start3A_45 = arith.constant 0 : i32
        %dma_start3A_46 = tpu.memref_slice %arg3[%add3A_31, %dma_start3A_45] : memref<2560x128xi32, #tpu.memory_space<hbm>> -> memref<40x128xi32, #tpu.memory_space<hbm>>
        tpu.enqueue_dma source(%dma_start3A_46 : memref<40x128xi32, #tpu.memory_space<hbm>>) target(%arg7 : memref<40x128xi32, #tpu.memory_space<vmem>>) target_semaphore(%run_scoped3A : memref<!tpu.dma_semaphore, #tpu.memory_space<semaphore_mem>>)
        %dma_wait3A = arith.constant 0 : i32
        %dma_wait3A_47 = tpu.memref_slice %arg3[%add3A_31, %dma_wait3A] : memref<2560x128xi32, #tpu.memory_space<hbm>> -> memref<40x128xi32, #tpu.memory_space<hbm>>
        %dma_wait3A_48 = arith.constant 0 : i32
        %dma_wait3A_49 = tpu.memref_slice %arg3[%add3A_31, %dma_wait3A_48] : memref<2560x128xi32, #tpu.memory_space<hbm>> -> memref<40x128xi32, #tpu.memory_space<hbm>>
        tpu.wait_dma2 semaphore(%run_scoped3A : memref<!tpu.dma_semaphore, #tpu.memory_space<semaphore_mem>>) src(%dma_wait3A_49 : memref<40x128xi32, #tpu.memory_space<hbm>>) dst(%arg7 : memref<40x128xi32, #tpu.memory_space<vmem>>)
        tpu.yield
      }) : () -> ()
      "tpu.region"() ({
        %run_scoped3A = tpu.sem_alloc : memref<!tpu.dma_semaphore, #tpu.memory_space<semaphore_mem>>
        %dma_start3A_43 = arith.constant 0 : i32
        %dma_start3A_44 = tpu.memref_slice %arg4[%add3A_31, %dma_start3A_43] : memref<2560x128xi32, #tpu.memory_space<hbm>> -> memref<40x128xi32, #tpu.memory_space<hbm>>
        %dma_start3A_45 = arith.constant 0 : i32
        %dma_start3A_46 = tpu.memref_slice %arg4[%add3A_31, %dma_start3A_45] : memref<2560x128xi32, #tpu.memory_space<hbm>> -> memref<40x128xi32, #tpu.memory_space<hbm>>
        tpu.enqueue_dma source(%dma_start3A_46 : memref<40x128xi32, #tpu.memory_space<hbm>>) target(%arg8 : memref<40x128xi32, #tpu.memory_space<vmem>>) target_semaphore(%run_scoped3A : memref<!tpu.dma_semaphore, #tpu.memory_space<semaphore_mem>>)
        %dma_wait3A = arith.constant 0 : i32
        %dma_wait3A_47 = tpu.memref_slice %arg4[%add3A_31, %dma_wait3A] : memref<2560x128xi32, #tpu.memory_space<hbm>> -> memref<40x128xi32, #tpu.memory_space<hbm>>
        %dma_wait3A_48 = arith.constant 0 : i32
        %dma_wait3A_49 = tpu.memref_slice %arg4[%add3A_31, %dma_wait3A_48] : memref<2560x128xi32, #tpu.memory_space<hbm>> -> memref<40x128xi32, #tpu.memory_space<hbm>>
        tpu.wait_dma2 semaphore(%run_scoped3A : memref<!tpu.dma_semaphore, #tpu.memory_space<semaphore_mem>>) src(%dma_wait3A_49 : memref<40x128xi32, #tpu.memory_space<hbm>>) dst(%arg8 : memref<40x128xi32, #tpu.memory_space<vmem>>)
        tpu.yield
      }) : () -> ()
      %dma_start3A = arith.constant 0 : i32
      %dma_start3A_32 = arith.constant 0 : i32
      %dma_start3A_33 = tpu.memref_slice %arg7[%dma_start3A, %dma_start3A_32] : memref<40x128xi32, #tpu.memory_space<vmem>> -> memref<1x128xi32, #tpu.memory_space<vmem>>
      %dma_start3A_34 = tpu.memref_squeeze %dma_start3A_33 : memref<1x128xi32, #tpu.memory_space<vmem>> -> memref<128xi32, #tpu.memory_space<vmem>>
      %dma_start3A_35 = arith.constant 0 : i32
      %dma_start3A_36 = arith.constant 0 : i32
      %dma_start3A_37 = tpu.memref_slice %arg2[%dma_start3A_35, %dma_start3A_36] : memref<10000x128xf32, #tpu.memory_space<hbm>> -> memref<10000x128xf32, #tpu.memory_space<hbm>>
      tpu.enqueue_indirect_dma source(%dma_start3A_37 : memref<10000x128xf32, #tpu.memory_space<hbm>>) target(%arg9 : memref<128x128xf32, #tpu.memory_space<vmem>>) offsets(%dma_start3A_34 : memref<128xi32, #tpu.memory_space<vmem>>) semaphore(%arg12 : memref<!tpu.dma_semaphore, #tpu.memory_space<semaphore_mem>>)
      %scan3A_38 = arith.constant 0 : i32
      %scan3A_39 = arith.constant 20 : i32
      %scan3A_40 = arith.addi %scan3A_38, %scan3A_39 : i32
      %scan3A_41 = arith.constant 1 : i32
      scf.for %scan3A_43 = %scan3A_38 to %scan3A_40 step %scan3A_41  : i32 {
        %mul3A_44 = arith.constant 2 : i32
        %mul3A_45 = arith.muli %scan3A_43, %mul3A_44 : i32
        %add3A_46 = arith.constant 0 : i32
        %add3A_47 = arith.addi %add3A_46, %mul3A_45 : i32
        %dma_wait3A = arith.constant 0 : i32
        %dma_wait3A_48 = tpu.memref_slice %arg7[%add3A_47, %dma_wait3A] : memref<40x128xi32, #tpu.memory_space<vmem>> -> memref<1x128xi32, #tpu.memory_space<vmem>>
        %dma_wait3A_49 = tpu.memref_squeeze %dma_wait3A_48 : memref<1x128xi32, #tpu.memory_space<vmem>> -> memref<128xi32, #tpu.memory_space<vmem>>
        %dma_wait3A_50 = arith.constant 0 : i32
        %dma_wait3A_51 = arith.constant 0 : i32
        %dma_wait3A_52 = tpu.memref_slice %arg2[%dma_wait3A_50, %dma_wait3A_51] : memref<10000x128xf32, #tpu.memory_space<hbm>> -> memref<10000x128xf32, #tpu.memory_space<hbm>>
        tpu.wait_indirect_dma semaphore(%arg12 : memref<!tpu.dma_semaphore, #tpu.memory_space<semaphore_mem>>) src(%dma_wait3A_52 : memref<10000x128xf32, #tpu.memory_space<hbm>>) dst(%arg9 : memref<128x128xf32, #tpu.memory_space<vmem>>)
        %add3A_53 = arith.constant 1 : i32
        %add3A_54 = arith.addi %add3A_47, %add3A_53 : i32
        %dma_start3A_55 = arith.constant 0 : i32
        %dma_start3A_56 = tpu.memref_slice %arg7[%add3A_54, %dma_start3A_55] : memref<40x128xi32, #tpu.memory_space<vmem>> -> memref<1x128xi32, #tpu.memory_space<vmem>>
        %dma_start3A_57 = tpu.memref_squeeze %dma_start3A_56 : memref<1x128xi32, #tpu.memory_space<vmem>> -> memref<128xi32, #tpu.memory_space<vmem>>
        %dma_start3A_58 = arith.constant 0 : i32
        %dma_start3A_59 = arith.constant 0 : i32
        %dma_start3A_60 = tpu.memref_slice %arg2[%dma_start3A_58, %dma_start3A_59] : memref<10000x128xf32, #tpu.memory_space<hbm>> -> memref<10000x128xf32, #tpu.memory_space<hbm>>
        tpu.enqueue_indirect_dma source(%dma_start3A_60 : memref<10000x128xf32, #tpu.memory_space<hbm>>) target(%arg10 : memref<128x128xf32, #tpu.memory_space<vmem>>) offsets(%dma_start3A_57 : memref<128xi32, #tpu.memory_space<vmem>>) semaphore(%arg13 : memref<!tpu.dma_semaphore, #tpu.memory_space<semaphore_mem>>)
        "tpu.region"() ({
          %run_scoped3A = tpu.sem_alloc : memref<!tpu.dma_semaphore, #tpu.memory_space<semaphore_mem>>
          %dma_start3A_78 = arith.constant 0 : i32
          %dma_start3A_79 = tpu.memref_slice %arg8[%add3A_47, %dma_start3A_78] : memref<40x128xi32, #tpu.memory_space<vmem>> -> memref<1x128xi32, #tpu.memory_space<vmem>>
          %dma_start3A_80 = tpu.memref_squeeze %dma_start3A_79 : memref<1x128xi32, #tpu.memory_space<vmem>> -> memref<128xi32, #tpu.memory_space<vmem>>
          %dma_start3A_81 = arith.constant 0 : i32
          %dma_start3A_82 = arith.constant 0 : i32
          %dma_start3A_83 = tpu.memref_slice %arg11[%dma_start3A_81, %dma_start3A_82] : memref<10128x128xf32, #tpu.memory_space<vmem_shared>> -> memref<10128x128xf32, #tpu.memory_space<vmem_shared>>
          tpu.enqueue_indirect_dma source(%arg9 : memref<128x128xf32, #tpu.memory_space<vmem>>) target(%dma_start3A_83 : memref<10128x128xf32, #tpu.memory_space<vmem_shared>>) offsets(%dma_start3A_80 : memref<128xi32, #tpu.memory_space<vmem>>) semaphore(%run_scoped3A : memref<!tpu.dma_semaphore, #tpu.memory_space<semaphore_mem>>) {add = true}
          %dma_wait3A_84 = arith.constant 0 : i32
          %dma_wait3A_85 = tpu.memref_slice %arg8[%add3A_47, %dma_wait3A_84] : memref<40x128xi32, #tpu.memory_space<vmem>> -> memref<1x128xi32, #tpu.memory_space<vmem>>
          %dma_wait3A_86 = tpu.memref_squeeze %dma_wait3A_85 : memref<1x128xi32, #tpu.memory_space<vmem>> -> memref<128xi32, #tpu.memory_space<vmem>>
          %dma_wait3A_87 = arith.constant 0 : i32
          %dma_wait3A_88 = arith.constant 0 : i32
          %dma_wait3A_89 = tpu.memref_slice %arg11[%dma_wait3A_87, %dma_wait3A_88] : memref<10128x128xf32, #tpu.memory_space<vmem_shared>> -> memref<10128x128xf32, #tpu.memory_space<vmem_shared>>
          tpu.wait_indirect_dma semaphore(%run_scoped3A : memref<!tpu.dma_semaphore, #tpu.memory_space<semaphore_mem>>) src(%arg9 : memref<128x128xf32, #tpu.memory_space<vmem>>) dst(%dma_wait3A_89 : memref<10128x128xf32, #tpu.memory_space<vmem_shared>>)
          tpu.yield
        }) : () -> ()
        %add3A_61 = arith.constant 1 : i32
        %add3A_62 = arith.addi %add3A_47, %add3A_61 : i32
        %dma_wait3A_63 = arith.constant 0 : i32
        %dma_wait3A_64 = tpu.memref_slice %arg7[%add3A_62, %dma_wait3A_63] : memref<40x128xi32, #tpu.memory_space<vmem>> -> memref<1x128xi32, #tpu.memory_space<vmem>>
        %dma_wait3A_65 = tpu.memref_squeeze %dma_wait3A_64 : memref<1x128xi32, #tpu.memory_space<vmem>> -> memref<128xi32, #tpu.memory_space<vmem>>
        %dma_wait3A_66 = arith.constant 0 : i32
        %dma_wait3A_67 = arith.constant 0 : i32
        %dma_wait3A_68 = tpu.memref_slice %arg2[%dma_wait3A_66, %dma_wait3A_67] : memref<10000x128xf32, #tpu.memory_space<hbm>> -> memref<10000x128xf32, #tpu.memory_space<hbm>>
        tpu.wait_indirect_dma semaphore(%arg13 : memref<!tpu.dma_semaphore, #tpu.memory_space<semaphore_mem>>) src(%dma_wait3A_68 : memref<10000x128xf32, #tpu.memory_space<hbm>>) dst(%arg10 : memref<128x128xf32, #tpu.memory_space<vmem>>)
        %add3A_69 = arith.constant 2 : i32
        %add3A_70 = arith.addi %add3A_47, %add3A_69 : i32
        %lt3A_71 = arith.constant 40 : i32
        %lt3A_72 = arith.cmpi slt, %add3A_70, %lt3A_71 : i32
        %convert_element_type3A_73 = arith.extui %lt3A_72 : i1 to i32
        %cond3A_74 = arith.constant 0 : i32
        %cond3A_75 = arith.cmpi ne, %convert_element_type3A_73, %cond3A_74 : i32
        scf.if %cond3A_75 {
          %add3A_78 = arith.constant 2 : i32
          %add3A_79 = arith.addi %add3A_47, %add3A_78 : i32
          %dma_start3A_80 = arith.constant 0 : i32
          %dma_start3A_81 = tpu.memref_slice %arg7[%add3A_79, %dma_start3A_80] : memref<40x128xi32, #tpu.memory_space<vmem>> -> memref<1x128xi32, #tpu.memory_space<vmem>>
          %dma_start3A_82 = tpu.memref_squeeze %dma_start3A_81 : memref<1x128xi32, #tpu.memory_space<vmem>> -> memref<128xi32, #tpu.memory_space<vmem>>
          %dma_start3A_83 = arith.constant 0 : i32
          %dma_start3A_84 = arith.constant 0 : i32
          %dma_start3A_85 = tpu.memref_slice %arg2[%dma_start3A_83, %dma_start3A_84] : memref<10000x128xf32, #tpu.memory_space<hbm>> -> memref<10000x128xf32, #tpu.memory_space<hbm>>
          tpu.enqueue_indirect_dma source(%dma_start3A_85 : memref<10000x128xf32, #tpu.memory_space<hbm>>) target(%arg9 : memref<128x128xf32, #tpu.memory_space<vmem>>) offsets(%dma_start3A_82 : memref<128xi32, #tpu.memory_space<vmem>>) semaphore(%arg12 : memref<!tpu.dma_semaphore, #tpu.memory_space<semaphore_mem>>)
        } else {
        }
        %add3A_76 = arith.constant 1 : i32
        %add3A_77 = arith.addi %add3A_47, %add3A_76 : i32
        "tpu.region"() ({
          %run_scoped3A = tpu.sem_alloc : memref<!tpu.dma_semaphore, #tpu.memory_space<semaphore_mem>>
          %dma_start3A_78 = arith.constant 0 : i32
          %dma_start3A_79 = tpu.memref_slice %arg8[%add3A_77, %dma_start3A_78] : memref<40x128xi32, #tpu.memory_space<vmem>> -> memref<1x128xi32, #tpu.memory_space<vmem>>
          %dma_start3A_80 = tpu.memref_squeeze %dma_start3A_79 : memref<1x128xi32, #tpu.memory_space<vmem>> -> memref<128xi32, #tpu.memory_space<vmem>>
          %dma_start3A_81 = arith.constant 0 : i32
          %dma_start3A_82 = arith.constant 0 : i32
          %dma_start3A_83 = tpu.memref_slice %arg11[%dma_start3A_81, %dma_start3A_82] : memref<10128x128xf32, #tpu.memory_space<vmem_shared>> -> memref<10128x128xf32, #tpu.memory_space<vmem_shared>>
          tpu.enqueue_indirect_dma source(%arg10 : memref<128x128xf32, #tpu.memory_space<vmem>>) target(%dma_start3A_83 : memref<10128x128xf32, #tpu.memory_space<vmem_shared>>) offsets(%dma_start3A_80 : memref<128xi32, #tpu.memory_space<vmem>>) semaphore(%run_scoped3A : memref<!tpu.dma_semaphore, #tpu.memory_space<semaphore_mem>>) {add = true}
          %dma_wait3A_84 = arith.constant 0 : i32
          %dma_wait3A_85 = tpu.memref_slice %arg8[%add3A_77, %dma_wait3A_84] : memref<40x128xi32, #tpu.memory_space<vmem>> -> memref<1x128xi32, #tpu.memory_space<vmem>>
          %dma_wait3A_86 = tpu.memref_squeeze %dma_wait3A_85 : memref<1x128xi32, #tpu.memory_space<vmem>> -> memref<128xi32, #tpu.memory_space<vmem>>
          %dma_wait3A_87 = arith.constant 0 : i32
          %dma_wait3A_88 = arith.constant 0 : i32
          %dma_wait3A_89 = tpu.memref_slice %arg11[%dma_wait3A_87, %dma_wait3A_88] : memref<10128x128xf32, #tpu.memory_space<vmem_shared>> -> memref<10128x128xf32, #tpu.memory_space<vmem_shared>>
          tpu.wait_indirect_dma semaphore(%run_scoped3A : memref<!tpu.dma_semaphore, #tpu.memory_space<semaphore_mem>>) src(%arg10 : memref<128x128xf32, #tpu.memory_space<vmem>>) dst(%dma_wait3A_89 : memref<10128x128xf32, #tpu.memory_space<vmem_shared>>)
          tpu.yield
        }) : () -> ()
      }
      %scan3A_42 = arith.constant 20 : i32
    }
    %scan3A_10 = arith.constant 2 : i32
    %barrier3A_11 = arith.constant 0 : index
    tpu.barrier barrier_id(%barrier3A_11)
    %lt3A_12 = arith.constant 15 : i32
    %lt3A_13 = arith.cmpi slt, %arg1, %lt3A_12 : i32
    %convert_element_type3A_14 = arith.extui %lt3A_13 : i1 to i32
    %cond3A_15 = arith.constant 0 : i32
    %cond3A_16 = arith.cmpi ne, %convert_element_type3A_14, %cond3A_15 : i32
    scf.if %cond3A_16 {
      %mul3A_22 = arith.constant 624 : i32
      %mul3A_23 = arith.muli %arg1, %mul3A_22 : i32
      %mul3A_24 = arith.constant 624 : i32
      %mul3A_25 = arith.muli %arg1, %mul3A_24 : i32
      "tpu.region"() ({
        %run_scoped3A = tpu.sem_alloc : memref<!tpu.dma_semaphore, #tpu.memory_space<semaphore_mem>>
        %dma_start3A = arith.constant 0 : i32
        %dma_start3A_26 = tpu.memref_slice %arg6[%arg0, %mul3A_25, %dma_start3A] : memref<2x10000x128xf32, #tpu.memory_space<hbm>> -> memref<1x624x128xf32, #tpu.memory_space<hbm>>
        %dma_start3A_27 = tpu.memref_squeeze %dma_start3A_26 : memref<1x624x128xf32, #tpu.memory_space<hbm>> -> memref<624x128xf32, #tpu.memory_space<hbm>>
        %dma_start3A_28 = arith.constant 0 : i32
        %dma_start3A_29 = tpu.memref_slice %arg11[%mul3A_23, %dma_start3A_28] : memref<10128x128xf32, #tpu.memory_space<vmem_shared>> -> memref<624x128xf32, #tpu.memory_space<vmem_shared>>
        tpu.enqueue_dma source(%dma_start3A_29 : memref<624x128xf32, #tpu.memory_space<vmem_shared>>) target(%dma_start3A_27 : memref<624x128xf32, #tpu.memory_space<hbm>>) target_semaphore(%run_scoped3A : memref<!tpu.dma_semaphore, #tpu.memory_space<semaphore_mem>>)
        %dma_wait3A = arith.constant 0 : i32
        %dma_wait3A_30 = tpu.memref_slice %arg6[%arg0, %mul3A_25, %dma_wait3A] : memref<2x10000x128xf32, #tpu.memory_space<hbm>> -> memref<1x624x128xf32, #tpu.memory_space<hbm>>
        %dma_wait3A_31 = tpu.memref_squeeze %dma_wait3A_30 : memref<1x624x128xf32, #tpu.memory_space<hbm>> -> memref<624x128xf32, #tpu.memory_space<hbm>>
        %dma_wait3A_32 = arith.constant 0 : i32
        %dma_wait3A_33 = tpu.memref_slice %arg11[%mul3A_23, %dma_wait3A_32] : memref<10128x128xf32, #tpu.memory_space<vmem_shared>> -> memref<624x128xf32, #tpu.memory_space<vmem_shared>>
        tpu.wait_dma2 semaphore(%run_scoped3A : memref<!tpu.dma_semaphore, #tpu.memory_space<semaphore_mem>>) src(%dma_wait3A_33 : memref<624x128xf32, #tpu.memory_space<vmem_shared>>) dst(%dma_wait3A_31 : memref<624x128xf32, #tpu.memory_space<hbm>>)
        tpu.yield
      }) : () -> ()
    } else {
    }
    %eq3A_17 = arith.constant 15 : i32
    %eq3A_18 = arith.cmpi eq, %arg1, %eq3A_17 : i32
    %convert_element_type3A_19 = arith.extui %eq3A_18 : i1 to i32
    %cond3A_20 = arith.constant 0 : i32
    %cond3A_21 = arith.cmpi ne, %convert_element_type3A_19, %cond3A_20 : i32
    scf.if %cond3A_21 {
      "tpu.region"() ({
        %run_scoped3A = tpu.sem_alloc : memref<!tpu.dma_semaphore, #tpu.memory_space<semaphore_mem>>
        %dma_start3A = arith.constant 9360 : i32
        %dma_start3A_22 = arith.constant 0 : i32
        %dma_start3A_23 = tpu.memref_slice %arg6[%arg0, %dma_start3A, %dma_start3A_22] : memref<2x10000x128xf32, #tpu.memory_space<hbm>> -> memref<1x640x128xf32, #tpu.memory_space<hbm>>
        %dma_start3A_24 = tpu.memref_squeeze %dma_start3A_23 : memref<1x640x128xf32, #tpu.memory_space<hbm>> -> memref<640x128xf32, #tpu.memory_space<hbm>>
        %dma_start3A_25 = arith.constant 9360 : i32
        %dma_start3A_26 = arith.constant 0 : i32
        %dma_start3A_27 = tpu.memref_slice %arg11[%dma_start3A_25, %dma_start3A_26] : memref<10128x128xf32, #tpu.memory_space<vmem_shared>> -> memref<640x128xf32, #tpu.memory_space<vmem_shared>>
        tpu.enqueue_dma source(%dma_start3A_27 : memref<640x128xf32, #tpu.memory_space<vmem_shared>>) target(%dma_start3A_24 : memref<640x128xf32, #tpu.memory_space<hbm>>) target_semaphore(%run_scoped3A : memref<!tpu.dma_semaphore, #tpu.memory_space<semaphore_mem>>)
        %dma_wait3A = arith.constant 9360 : i32
        %dma_wait3A_28 = arith.constant 0 : i32
        %dma_wait3A_29 = tpu.memref_slice %arg6[%arg0, %dma_wait3A, %dma_wait3A_28] : memref<2x10000x128xf32, #tpu.memory_space<hbm>> -> memref<1x640x128xf32, #tpu.memory_space<hbm>>
        %dma_wait3A_30 = tpu.memref_squeeze %dma_wait3A_29 : memref<1x640x128xf32, #tpu.memory_space<hbm>> -> memref<640x128xf32, #tpu.memory_space<hbm>>
        %dma_wait3A_31 = arith.constant 9360 : i32
        %dma_wait3A_32 = arith.constant 0 : i32
        %dma_wait3A_33 = tpu.memref_slice %arg11[%dma_wait3A_31, %dma_wait3A_32] : memref<10128x128xf32, #tpu.memory_space<vmem_shared>> -> memref<640x128xf32, #tpu.memory_space<vmem_shared>>
        tpu.wait_dma2 semaphore(%run_scoped3A : memref<!tpu.dma_semaphore, #tpu.memory_space<semaphore_mem>>) src(%dma_wait3A_33 : memref<640x128xf32, #tpu.memory_space<vmem_shared>>) dst(%dma_wait3A_30 : memref<640x128xf32, #tpu.memory_space<hbm>>)
        tpu.yield
      }) : () -> ()
    } else {
    }
    return
  }
}

module attributes {stable_mosaic.version = 14 : i64} {
  func.func @body(%arg0: i32, %arg1: memref<2000x128xf32, #tpu.memory_space<vmem>>, %arg2: memref<128x128xf32, #tpu.memory_space<vmem>>, %arg3: memref<1x128xf32, #tpu.memory_space<vmem>>, %arg4: memref<2000x128xf32, #tpu.memory_space<vmem>>) attributes {dimension_semantics = [#tpu.dimension_semantics<arbitrary>], iteration_bounds = array<i64: 5>, scalar_prefetch = 0 : i64, scratch_operands = 0 : i64, tpu.core_type = #tpu.core_type<tc>, window_params = [{transform_indices = @transform_0, window_bounds = array<i64: 2000, 128>}, {pipeline_mode = #tpu.pipeline_mode<synchronous>, transform_indices = @transform_1, window_bounds = array<i64: 128, 128>}, {pipeline_mode = #tpu.pipeline_mode<synchronous>, transform_indices = @transform_2, window_bounds = array<i64: 1, 128>}, {transform_indices = @transform_3, window_bounds = array<i64: 2000, 128>}]} {
    %get3A = arith.constant 0 : index
    %get3A_0 = arith.constant 0 : index
    %get3A_1 = vector.load %arg1[%get3A, %get3A_0] : memref<2000x128xf32, #tpu.memory_space<vmem>>, vector<2000x128xf32>
    %get3A_2 = arith.constant 0 : index
    %get3A_3 = arith.constant 0 : index
    %get3A_4 = vector.load %arg2[%get3A_2, %get3A_3] : memref<128x128xf32, #tpu.memory_space<vmem>>, vector<128x128xf32>
    %dot_general3A = arith.constant dense<0.000000e+00> : vector<2000x128xf32>
    %dot_general3A_5 = tpu.matmul %get3A_1, %get3A_4, %dot_general3A {dimension_numbers = #tpu.dot_dimension_numbers<[1], [0], [0], [1], [0, 0, 1, 1], [], []>, transpose_lhs_hint = false} : vector<2000x128xf32>, vector<128x128xf32>, vector<2000x128xf32> -> vector<2000x128xf32>
    %get3A_6 = arith.constant 0 : index
    %get3A_7 = arith.constant 0 : index
    %get3A_8 = vector.load %arg3[%get3A_6, %get3A_7] : memref<1x128xf32, #tpu.memory_space<vmem>>, vector<1x128xf32>
    %add3A = vector.broadcast %get3A_8 : vector<1x128xf32> to vector<2000x128xf32>
    %add3A_9 = arith.addf %dot_general3A_5, %add3A : vector<2000x128xf32>
    %swap3A = arith.constant 0 : index
    %swap3A_10 = arith.constant 0 : index
    %swap3A_11 = vector.load %arg4[%swap3A, %swap3A_10] : memref<2000x128xf32, #tpu.memory_space<vmem>>, vector<2000x128xf32>
    tpu.vector_store %arg4[%swap3A, %swap3A_10], %add3A_9 {strides = array<i32>} : memref<2000x128xf32, #tpu.memory_space<vmem>>, vector<2000x128xf32>,
    return
  }
  func.func @transform_0(%arg0: i32) -> (i32, i32) {
    %c0_i32 = arith.constant 0 : i32
    %c0_i32_0 = arith.constant 0 : i32
    return %arg0, %c0_i32 : i32, i32
  }
  func.func @transform_1(%arg0: i32) -> (i32, i32) {
    %c0_i32 = arith.constant 0 : i32
    %c0_i32_0 = arith.constant 0 : i32
    %c0_i32_1 = arith.constant 0 : i32
    return %c0_i32, %c0_i32_0 : i32, i32
  }
  func.func @transform_2(%arg0: i32) -> (i32, i32) {
    %c0_i32 = arith.constant 0 : i32
    %c0_i32_0 = arith.constant 0 : i32
    %c0_i32_1 = arith.constant 0 : i32
    return %c0_i32, %c0_i32_0 : i32, i32
  }
  func.func @transform_3(%arg0: i32) -> (i32, i32) {
    %c0_i32 = arith.constant 0 : i32
    %c0_i32_0 = arith.constant 0 : i32
    return %arg0, %c0_i32 : i32, i32
  }
}

module attributes {stable_mosaic.version = 14 : i64} {
  func.func @body(%arg0: i32, %arg1: memref<2000x128xf32, #tpu.memory_space<vmem>>, %arg2: memref<2000x1xf32, #tpu.memory_space<vmem>>, %arg3: memref<2000x128xf32, #tpu.memory_space<vmem>>) attributes {dimension_semantics = [#tpu.dimension_semantics<arbitrary>], iteration_bounds = array<i64: 5>, scalar_prefetch = 0 : i64, scratch_operands = 0 : i64, tpu.core_type = #tpu.core_type<tc>, window_params = [{transform_indices = @transform_0, window_bounds = array<i64: 2000, 128>}, {transform_indices = @transform_1, window_bounds = array<i64: 2000, 1>}, {transform_indices = @transform_2, window_bounds = array<i64: 2000, 128>}]} {
    %get3A = arith.constant 0 : index
    %get3A_0 = arith.constant 0 : index
    %get3A_1 = vector.load %arg1[%get3A, %get3A_0] : memref<2000x128xf32, #tpu.memory_space<vmem>>, vector<2000x128xf32>
    %get3A_2 = arith.constant 0 : index
    %get3A_3 = arith.constant 0 : index
    %get3A_4 = vector.load %arg2[%get3A_2, %get3A_3] : memref<2000x1xf32, #tpu.memory_space<vmem>>, vector<2000x1xf32>
    %mul3A = vector.broadcast %get3A_4 : vector<2000x1xf32> to vector<2000x128xf32>
    %mul3A_5 = arith.mulf %get3A_1, %mul3A : vector<2000x128xf32>
    %swap3A = arith.constant 0 : index
    %swap3A_6 = arith.constant 0 : index
    %swap3A_7 = vector.load %arg3[%swap3A, %swap3A_6] : memref<2000x128xf32, #tpu.memory_space<vmem>>, vector<2000x128xf32>
    tpu.vector_store %arg3[%swap3A, %swap3A_6], %mul3A_5 {strides = array<i32>} : memref<2000x128xf32, #tpu.memory_space<vmem>>, vector<2000x128xf32>,
    return
  }
  func.func @transform_0(%arg0: i32) -> (i32, i32) {
    %c0_i32 = arith.constant 0 : i32
    %c0_i32_0 = arith.constant 0 : i32
    return %arg0, %c0_i32 : i32, i32
  }
  func.func @transform_1(%arg0: i32) -> (i32, i32) {
    %c0_i32 = arith.constant 0 : i32
    %c0_i32_0 = arith.constant 0 : i32
    return %arg0, %c0_i32 : i32, i32
  }
  func.func @transform_2(%arg0: i32) -> (i32, i32) {
    %c0_i32 = arith.constant 0 : i32
    %c0_i32_0 = arith.constant 0 : i32
    return %arg0, %c0_i32 : i32, i32
  }
}

module attributes {stable_mosaic.version = 14 : i64} {
  func.func @body(%arg0: i32, %arg1: memref<1x2000x128xf32, #tpu.memory_space<vmem>>, %arg2: memref<1x2000x128xf32, #tpu.memory_space<vmem>>, %arg3: memref<2000x128xf32, #tpu.memory_space<vmem>>, %arg4: memref<2000x1xf32, #tpu.memory_space<vmem>>, %arg5: memref<128x128xf32, #tpu.memory_space<vmem>>, %arg6: memref<1x128xf32, #tpu.memory_space<vmem>>, %arg7: memref<2000x128xf32, #tpu.memory_space<vmem>>, %arg8: memref<2000x128xf32, #tpu.memory_space<vmem>>) attributes {dimension_semantics = [#tpu.dimension_semantics<arbitrary>], iteration_bounds = array<i64: 5>, scalar_prefetch = 0 : i64, scratch_operands = 0 : i64, tpu.core_type = #tpu.core_type<tc>, window_params = [{transform_indices = @transform_0, window_bounds = array<i64: 1, 2000, 128>}, {transform_indices = @transform_1, window_bounds = array<i64: 1, 2000, 128>}, {transform_indices = @transform_2, window_bounds = array<i64: 2000, 128>}, {transform_indices = @transform_3, window_bounds = array<i64: 2000, 1>}, {pipeline_mode = #tpu.pipeline_mode<synchronous>, transform_indices = @transform_4, window_bounds = array<i64: 128, 128>}, {pipeline_mode = #tpu.pipeline_mode<synchronous>, transform_indices = @transform_5, window_bounds = array<i64: 1, 128>}, {transform_indices = @transform_6, window_bounds = array<i64: 2000, 128>}, {transform_indices = @transform_7, window_bounds = array<i64: 2000, 128>}]} {
    %get3A = arith.constant 0 : index
    %get3A_0 = arith.constant 0 : index
    %get3A_1 = vector.load %arg4[%get3A, %get3A_0] : memref<2000x1xf32, #tpu.memory_space<vmem>>, vector<2000x1xf32>
    %get3A_2 = arith.constant 0 : index
    %get3A_3 = arith.constant 0 : index
    %get3A_4 = arith.constant 0 : index
    %get3A_5 = vector.load %arg1[%get3A_2, %get3A_3, %get3A_4] : memref<1x2000x128xf32, #tpu.memory_space<vmem>>, vector<1x2000x128xf32>
    %get3A_6 = vector.shape_cast %get3A_5 : vector<1x2000x128xf32> to vector<2000x128xf32>
    %get3A_7 = arith.constant 0 : index
    %get3A_8 = arith.constant 0 : index
    %get3A_9 = arith.constant 0 : index
    %get3A_10 = vector.load %arg2[%get3A_7, %get3A_8, %get3A_9] : memref<1x2000x128xf32, #tpu.memory_space<vmem>>, vector<1x2000x128xf32>
    %get3A_11 = vector.shape_cast %get3A_10 : vector<1x2000x128xf32> to vector<2000x128xf32>
    %add3A = arith.addf %get3A_6, %get3A_11 : vector<2000x128xf32>
    %get3A_12 = arith.constant 0 : index
    %get3A_13 = arith.constant 0 : index
    %get3A_14 = vector.load %arg3[%get3A_12, %get3A_13] : memref<2000x128xf32, #tpu.memory_space<vmem>>, vector<2000x128xf32>
    %add3A_15 = arith.addf %add3A, %get3A_14 : vector<2000x128xf32>
    %mul3A = vector.broadcast %get3A_1 : vector<2000x1xf32> to vector<2000x128xf32>
    %mul3A_16 = arith.mulf %mul3A, %add3A_15 : vector<2000x128xf32>
    %max3A = arith.constant 0.000000e+00 : f32
    %max3A_17 = vector.broadcast %max3A : f32 to vector<2000x128xf32>
    %max3A_18 = arith.maximumf %mul3A_16, %max3A_17 : vector<2000x128xf32>
    %swap3A = arith.constant 0 : index
    %swap3A_19 = arith.constant 0 : index
    %swap3A_20 = vector.load %arg7[%swap3A, %swap3A_19] : memref<2000x128xf32, #tpu.memory_space<vmem>>, vector<2000x128xf32>
    tpu.vector_store %arg7[%swap3A, %swap3A_19], %max3A_18 {strides = array<i32>} : memref<2000x128xf32, #tpu.memory_space<vmem>>, vector<2000x128xf32>,
    %get3A_21 = arith.constant 0 : index
    %get3A_22 = arith.constant 0 : index
    %get3A_23 = vector.load %arg5[%get3A_21, %get3A_22] : memref<128x128xf32, #tpu.memory_space<vmem>>, vector<128x128xf32>
    %dot_general3A = arith.constant dense<0.000000e+00> : vector<2000x128xf32>
    %dot_general3A_24 = tpu.matmul %max3A_18, %get3A_23, %dot_general3A {dimension_numbers = #tpu.dot_dimension_numbers<[1], [0], [0], [1], [0, 0, 1, 1], [], []>, transpose_lhs_hint = false} : vector<2000x128xf32>, vector<128x128xf32>, vector<2000x128xf32> -> vector<2000x128xf32>
    %get3A_25 = arith.constant 0 : index
    %get3A_26 = arith.constant 0 : index
    %get3A_27 = vector.load %arg6[%get3A_25, %get3A_26] : memref<1x128xf32, #tpu.memory_space<vmem>>, vector<1x128xf32>
    %add3A_28 = vector.broadcast %get3A_27 : vector<1x128xf32> to vector<2000x128xf32>
    %add3A_29 = arith.addf %dot_general3A_24, %add3A_28 : vector<2000x128xf32>
    %mul3A_30 = vector.broadcast %get3A_1 : vector<2000x1xf32> to vector<2000x128xf32>
    %mul3A_31 = arith.mulf %add3A_29, %mul3A_30 : vector<2000x128xf32>
    %swap3A_32 = arith.constant 0 : index
    %swap3A_33 = arith.constant 0 : index
    %swap3A_34 = vector.load %arg8[%swap3A_32, %swap3A_33] : memref<2000x128xf32, #tpu.memory_space<vmem>>, vector<2000x128xf32>
    tpu.vector_store %arg8[%swap3A_32, %swap3A_33], %mul3A_31 {strides = array<i32>} : memref<2000x128xf32, #tpu.memory_space<vmem>>, vector<2000x128xf32>,
    return
  }
  func.func @transform_0(%arg0: i32) -> (i32, i32, i32) {
    %c0_i32 = arith.constant 0 : i32
    %c0_i32_0 = arith.constant 0 : i32
    %c0_i32_1 = arith.constant 0 : i32
    return %c0_i32, %arg0, %c0_i32_0 : i32, i32, i32
  }
  func.func @transform_1(%arg0: i32) -> (i32, i32, i32) {
    %c1_i32 = arith.constant 1 : i32
    %c0_i32 = arith.constant 0 : i32
    %c0_i32_0 = arith.constant 0 : i32
    return %c1_i32, %arg0, %c0_i32 : i32, i32, i32
  }
  func.func @transform_2(%arg0: i32) -> (i32, i32) {
    %c0_i32 = arith.constant 0 : i32
    %c0_i32_0 = arith.constant 0 : i32
    return %arg0, %c0_i32 : i32, i32
  }
  func.func @transform_3(%arg0: i32) -> (i32, i32) {
    %c0_i32 = arith.constant 0 : i32
    %c0_i32_0 = arith.constant 0 : i32
    return %arg0, %c0_i32 : i32, i32
  }
  func.func @transform_4(%arg0: i32) -> (i32, i32) {
    %c0_i32 = arith.constant 0 : i32
    %c0_i32_0 = arith.constant 0 : i32
    %c0_i32_1 = arith.constant 0 : i32
    return %c0_i32, %c0_i32_0 : i32, i32
  }
  func.func @transform_5(%arg0: i32) -> (i32, i32) {
    %c0_i32 = arith.constant 0 : i32
    %c0_i32_0 = arith.constant 0 : i32
    %c0_i32_1 = arith.constant 0 : i32
    return %c0_i32, %c0_i32_0 : i32, i32
  }
  func.func @transform_6(%arg0: i32) -> (i32, i32) {
    %c0_i32 = arith.constant 0 : i32
    %c0_i32_0 = arith.constant 0 : i32
    return %arg0, %c0_i32 : i32, i32
  }
  func.func @transform_7(%arg0: i32) -> (i32, i32) {
    %c0_i32 = arith.constant 0 : i32
    %c0_i32_0 = arith.constant 0 : i32
    return %arg0, %c0_i32 : i32, i32
  }
}

module attributes {stable_mosaic.version = 14 : i64} {
  func.func @body(%arg0: i32, %arg1: memref<1x2000x128xf32, #tpu.memory_space<vmem>>, %arg2: memref<1x2000x128xf32, #tpu.memory_space<vmem>>, %arg3: memref<2000x128xf32, #tpu.memory_space<vmem>>, %arg4: memref<2000x1xf32, #tpu.memory_space<vmem>>, %arg5: memref<2000x128xf32, #tpu.memory_space<vmem>>, %arg6: memref<128x16xf32, #tpu.memory_space<vmem>>, %arg7: memref<1x16xf32, #tpu.memory_space<vmem>>, %arg8: memref<2000x16xf32, #tpu.memory_space<vmem>>) attributes {dimension_semantics = [#tpu.dimension_semantics<arbitrary>], iteration_bounds = array<i64: 5>, scalar_prefetch = 0 : i64, scratch_operands = 0 : i64, tpu.core_type = #tpu.core_type<tc>, window_params = [{transform_indices = @transform_0, window_bounds = array<i64: 1, 2000, 128>}, {transform_indices = @transform_1, window_bounds = array<i64: 1, 2000, 128>}, {transform_indices = @transform_2, window_bounds = array<i64: 2000, 128>}, {transform_indices = @transform_3, window_bounds = array<i64: 2000, 1>}, {transform_indices = @transform_4, window_bounds = array<i64: 2000, 128>}, {pipeline_mode = #tpu.pipeline_mode<synchronous>, transform_indices = @transform_5, window_bounds = array<i64: 128, 16>}, {pipeline_mode = #tpu.pipeline_mode<synchronous>, transform_indices = @transform_6, window_bounds = array<i64: 1, 16>}, {transform_indices = @transform_7, window_bounds = array<i64: 2000, 16>}]} {
    %get3A = arith.constant 0 : index
    %get3A_0 = arith.constant 0 : index
    %get3A_1 = vector.load %arg4[%get3A, %get3A_0] : memref<2000x1xf32, #tpu.memory_space<vmem>>, vector<2000x1xf32>
    %get3A_2 = arith.constant 0 : index
    %get3A_3 = arith.constant 0 : index
    %get3A_4 = arith.constant 0 : index
    %get3A_5 = vector.load %arg1[%get3A_2, %get3A_3, %get3A_4] : memref<1x2000x128xf32, #tpu.memory_space<vmem>>, vector<1x2000x128xf32>
    %get3A_6 = vector.shape_cast %get3A_5 : vector<1x2000x128xf32> to vector<2000x128xf32>
    %get3A_7 = arith.constant 0 : index
    %get3A_8 = arith.constant 0 : index
    %get3A_9 = arith.constant 0 : index
    %get3A_10 = vector.load %arg2[%get3A_7, %get3A_8, %get3A_9] : memref<1x2000x128xf32, #tpu.memory_space<vmem>>, vector<1x2000x128xf32>
    %get3A_11 = vector.shape_cast %get3A_10 : vector<1x2000x128xf32> to vector<2000x128xf32>
    %add3A = arith.addf %get3A_6, %get3A_11 : vector<2000x128xf32>
    %get3A_12 = arith.constant 0 : index
    %get3A_13 = arith.constant 0 : index
    %get3A_14 = vector.load %arg3[%get3A_12, %get3A_13] : memref<2000x128xf32, #tpu.memory_space<vmem>>, vector<2000x128xf32>
    %add3A_15 = arith.addf %add3A, %get3A_14 : vector<2000x128xf32>
    %mul3A = vector.broadcast %get3A_1 : vector<2000x1xf32> to vector<2000x128xf32>
    %mul3A_16 = arith.mulf %mul3A, %add3A_15 : vector<2000x128xf32>
    %max3A = arith.constant 0.000000e+00 : f32
    %max3A_17 = vector.broadcast %max3A : f32 to vector<2000x128xf32>
    %max3A_18 = arith.maximumf %mul3A_16, %max3A_17 : vector<2000x128xf32>
    %get3A_19 = arith.constant 0 : index
    %get3A_20 = arith.constant 0 : index
    %get3A_21 = vector.load %arg5[%get3A_19, %get3A_20] : memref<2000x128xf32, #tpu.memory_space<vmem>>, vector<2000x128xf32>
    %max3A_22 = arith.maximumf %get3A_21, %max3A_18 : vector<2000x128xf32>
    %get3A_23 = arith.constant 0 : index
    %get3A_24 = arith.constant 0 : index
    %get3A_25 = vector.load %arg6[%get3A_23, %get3A_24] : memref<128x16xf32, #tpu.memory_space<vmem>>, vector<128x16xf32>
    %dot_general3A = arith.constant dense<0.000000e+00> : vector<2000x16xf32>
    %dot_general3A_26 = tpu.matmul %max3A_22, %get3A_25, %dot_general3A {dimension_numbers = #tpu.dot_dimension_numbers<[1], [0], [0], [1], [0, 0, 1, 1], [], []>, transpose_lhs_hint = false} : vector<2000x128xf32>, vector<128x16xf32>, vector<2000x16xf32> -> vector<2000x16xf32>
    %get3A_27 = arith.constant 0 : index
    %get3A_28 = arith.constant 0 : index
    %get3A_29 = vector.load %arg7[%get3A_27, %get3A_28] : memref<1x16xf32, #tpu.memory_space<vmem>>, vector<1x16xf32>
    %add3A_30 = vector.broadcast %get3A_29 : vector<1x16xf32> to vector<2000x16xf32>
    %add3A_31 = arith.addf %dot_general3A_26, %add3A_30 : vector<2000x16xf32>
    %reduce_max3A = arith.constant dense<0xFF800000> : vector<2000xf32>
    %reduce_max3A_32 = vector.multi_reduction <maximumf>, %add3A_31, %reduce_max3A [1] : vector<2000x16xf32> to vector<2000xf32>
    %broadcast_in_dim3A = vector.shape_cast %reduce_max3A_32 : vector<2000xf32> to vector<2000x1xf32>
    %sub3A = vector.broadcast %broadcast_in_dim3A : vector<2000x1xf32> to vector<2000x16xf32>
    %sub3A_33 = arith.subf %add3A_31, %sub3A : vector<2000x16xf32>
    %exp3A = math.exp %sub3A_33 : vector<2000x16xf32>
    %reduce_sum3A = arith.constant dense<0.000000e+00> : vector<2000xf32>
    %reduce_sum3A_34 = vector.multi_reduction <add>, %exp3A, %reduce_sum3A [1] : vector<2000x16xf32> to vector<2000xf32>
    %broadcast_in_dim3A_35 = vector.shape_cast %reduce_sum3A_34 : vector<2000xf32> to vector<2000x1xf32>
    %div3A = vector.broadcast %broadcast_in_dim3A_35 : vector<2000x1xf32> to vector<2000x16xf32>
    %div3A_36 = arith.divf %exp3A, %div3A : vector<2000x16xf32>
    %swap3A = arith.constant 0 : index
    %swap3A_37 = arith.constant 0 : index
    %swap3A_38 = vector.load %arg8[%swap3A, %swap3A_37] : memref<2000x16xf32, #tpu.memory_space<vmem>>, vector<2000x16xf32>
    tpu.vector_store %arg8[%swap3A, %swap3A_37], %div3A_36 {strides = array<i32>} : memref<2000x16xf32, #tpu.memory_space<vmem>>, vector<2000x16xf32>,
    return
  }
  func.func @transform_0(%arg0: i32) -> (i32, i32, i32) {
    %c0_i32 = arith.constant 0 : i32
    %c0_i32_0 = arith.constant 0 : i32
    %c0_i32_1 = arith.constant 0 : i32
    return %c0_i32, %arg0, %c0_i32_0 : i32, i32, i32
  }
  func.func @transform_1(%arg0: i32) -> (i32, i32, i32) {
    %c1_i32 = arith.constant 1 : i32
    %c0_i32 = arith.constant 0 : i32
    %c0_i32_0 = arith.constant 0 : i32
    return %c1_i32, %arg0, %c0_i32 : i32, i32, i32
  }
  func.func @transform_2(%arg0: i32) -> (i32, i32) {
    %c0_i32 = arith.constant 0 : i32
    %c0_i32_0 = arith.constant 0 : i32
    return %arg0, %c0_i32 : i32, i32
  }
  func.func @transform_3(%arg0: i32) -> (i32, i32) {
    %c0_i32 = arith.constant 0 : i32
    %c0_i32_0 = arith.constant 0 : i32
    return %arg0, %c0_i32 : i32, i32
  }
  func.func @transform_4(%arg0: i32) -> (i32, i32) {
    %c0_i32 = arith.constant 0 : i32
    %c0_i32_0 = arith.constant 0 : i32
    return %arg0, %c0_i32 : i32, i32
  }
  func.func @transform_5(%arg0: i32) -> (i32, i32) {
    %c0_i32 = arith.constant 0 : i32
    %c0_i32_0 = arith.constant 0 : i32
    %c0_i32_1 = arith.constant 0 : i32
    return %c0_i32, %c0_i32_0 : i32, i32
  }
  func.func @transform_6(%arg0: i32) -> (i32, i32) {
    %c0_i32 = arith.constant 0 : i32
    %c0_i32_0 = arith.constant 0 : i32
    %c0_i32_1 = arith.constant 0 : i32
    return %c0_i32, %c0_i32_0 : i32, i32
  }
  func.func @transform_7(%arg0: i32) -> (i32, i32) {
    %c0_i32 = arith.constant 0 : i32
    %c0_i32_0 = arith.constant 0 : i32
    return %arg0, %c0_i32 : i32, i32
  }
}

</mosaic_0001>

<sc_bundles>
// kernel: kernel.12.cloned.1.call-start
scs
__scs_entry_jumppad:
0x0: {  	(pc) =	sbr.rel $0x88, $3  }
0x1: {  	(tag) =	ssettag $0x0;
	lr =	simm.s32 $0x1  }
0x2: {  	[smem:$0x3F99] =	sst lr;
	_ =	strace $0xD0000000  }
0x3: {  	_ = 	snop  }
0x4: {  	_ = 	snop  }
0x5: {  	_ = 	snop  }
0x6: {  	_ = 	snop  }
0x7: {  	_ = 	snop  }
__scs_overlays_trampoline_lowered:
0x8: {  	[smem:$0x3FA8] =	sst s0  }
0x9: {  	[smem:$0x3FA9] =	sst s1  }
0xa: {  	[smem:$0x3FAA] =	sst s2  }
0xb: {  	[smem:$0x3FAB] =	sst s3  }
0xc: {  	[smem:$0x3FAC] =	sst s4  }
0xd: {  	[smem:$0x3FAD] =	sst s5  }
0xe: {  	[smem:$0x3FAE] =	sst s6  }
0xf: {  	[smem:$0x3FAF] =	sst s7  }
0x10: {  	[smem:$0x3FB0] =	sst s8  }
0x11: {  	[smem:$0x3FB1] =	sst s9;
	s0 =	simm.s32 @!p0 $0x0  }
0x12: {  	s1 =	sld [smem:$0x3F97];
	s0 =	simm.s32 @p0 $0x1  }
0x13: {  	[smem:$0x3FB2] =	sst s0;
	s0 =	simm.s32 @!p1 $0x0  }
0x14: {  	s2 =	sld [smem:$0x3F96];
	s0 =	simm.s32 @p1 $0x1  }
0x15: {  	[smem:$0x3FB3] =	sst s0;
	s0 =	simm.s32 @!p2 $0x0  }
0x16: {  	s3 =	sld [smem:$0x3FDB];
	s0 =	simm.s32 @p2 $0x1  }
0x17: {  	s4 =	simm.s32 $0x1BF5;
	[smem:$0x3FB5] =	sst s0  }
0x18: {  	s0 =	sld [smem:$0x3F98];
	_ =	swait.ge [sflag:s4], $0x0  }
0x19: {  	s7 =	sld [smem:$0x3F99]  }
0x1a: {  	s8 =	sadd.s32 $0xFFFFE003, lr  }
0x1b: {  	s9 =	sadd.s32 $0xFFFFFEF7, lr;
	s5 =	simm.s32 $0xFFFFFFFF;
	p2 =	slt.u32 s8, $0xFFFFF086  }
0x1c: {  	p1 =	slt.u32 s9, $0xF7A;
	s5 =	simm.s32 @!p2 $0x0  }
0x1d: {  	s5 =	simm.s32 @p1 $0x1;
	p0 =	seq.s32 s7, s2  }
0x1e: {  	s7 =	smul.u32 @!p0 $0xF7A, s2;
	p2 =	seq.s32 @!p0 s5, $0x0  }
0x1f: {  	s9 =	smul.u32 $0xF7A, s1;
	s8 =	simm.s32 @!p0 $0x1BF5;
	p2 =	por !p2, p0  }
0x20: {  	[sflag:s8] =	ssyncset.s32 @!p0 $0xFFFFF086;
	s6 =	sadd.s32 @!p0 s3, s7;
	s7 =	simm.s32 @!p0 $0x108  }
0x21: {  	s3 =	sadd.s32 s3, s9;
	s6 =	sadd.s32 @!p0 $0x88, s6;
	s7 =	simm.s32 @p2 $0x1082  }
0x22: {  	[simem:s7], [sflag:s8] =	dma.local @!p0 [hbm:s6], $0xF7A  }
0x23: {  	s9 =	sor.u32 $0xD0000000, s2;
	s6 =	simm.s32 $0x108;
	_ =	swait.ge @!p0 [sflag:s8], $0x0  }
0x24: {  	s3 =	sadd.s32 $0x88, s3;
	s6 =	simm.s32 @!p1 $0x1082;
	[sflag:s4] =	ssyncset.s32 $0xFFFFF086  }
0x25: {  	[simem:s6], [sflag:s4] =	dma.local [hbm:s3], $0xF7A  }
0x26: {  	[smem:$0x3F99] =	sst s1;
	(tag) =	ssettag s2;
	_ =	strace s9  }
0x27: {  	s1 =	sld [smem:$0x3FA9]  }
0x28: {  	s2 =	sld [smem:$0x3FAA]  }
0x29: {  	s4 =	sld [smem:$0x3FAC]  }
0x2a: {  	p0 =	seq.s32 s5, $0x0;
	s5 =	sld [smem:$0x3FAD]  }
0x2b: {  	s6 =	sld [smem:$0x3FAE]  }
0x2c: {  	s7 =	sld [smem:$0x3FAF]  }
0x2d: {  	s3 =	simm.s32 $0x108;
	s8 =	sld [smem:$0x3FB0]  }
0x2e: {  	s3 =	simm.s32 @!p0 $0x1082;
	s9 =	sld [smem:$0x3FB1]  }
0x2f: {  	lr =	sadd.s32 s0, s3;
	s0 =	sld [smem:$0x3FA8]  }
0x30: {  	s3 =	sld [smem:$0x3FAB]  }
0x31: {  	[smem:$0x3FB4] =	sst s10  }
0x32: {  	s10 =	sld [smem:$0x3FB2];
	_ =	sdelay $0x3  }
0x33: {  	p0 =	seq.s32 s10, $0x1;
	s10 =	sld [smem:$0x3FB4];
	_ =	sdelay $0x3  }
0x34: {  	[smem:$0x3FB4] =	sst s10  }
0x35: {  	s10 =	sld [smem:$0x3FB3];
	_ =	sdelay $0x3  }
0x36: {  	p1 =	seq.s32 s10, $0x1;
	s10 =	sld [smem:$0x3FB4];
	_ =	sdelay $0x3  }
0x37: {  	[smem:$0x3FB4] =	sst s10  }
0x38: {  	s10 =	sld [smem:$0x3FB5]  }
0x39: {  	_ = 	snop;
	(pc) =	sbr.ind lr, $3  }
0x3a: {  	_ = 	snop  }
0x3b: {  	_ = 	snop  }
0x3c: {  	p2 =	seq.s32 s10, $0x1;
	s10 =	sld [smem:$0x3FB4]  }
0x3d: {  	_ =	shalt  }
0x3e: {  	_ =	shalt  }
0x3f: {  	_ =	shalt  }
0x40: {  	_ =	shalt  }
0x41: {  	_ =	shalt  }
0x42: {  	_ =	shalt  }
0x43: {  	_ =	shalt  }
0x44: {  	_ =	shalt  }
0x45: {  	_ =	shalt  }
0x46: {  	_ =	shalt  }
0x47: {  	_ =	shalt  }
0x48: {  	_ =	shalt  }
0x49: {  	_ =	shalt  }
0x4a: {  	_ =	shalt  }
0x4b: {  	_ =	shalt  }
0x4c: {  	_ =	shalt  }
0x4d: {  	_ =	shalt  }
0x4e: {  	_ =	shalt  }
0x4f: {  	_ =	shalt  }
0x50: {  	_ =	shalt  }
0x51: {  	_ =	shalt  }
0x52: {  	_ =	shalt  }
0x53: {  	_ =	shalt  }
0x54: {  	_ =	shalt  }
0x55: {  	_ =	shalt  }
0x56: {  	_ =	shalt  }
0x57: {  	_ =	shalt  }
0x58: {  	_ =	shalt  }
0x59: {  	_ =	shalt  }
0x5a: {  	_ =	shalt  }
0x5b: {  	_ =	shalt  }
0x5c: {  	_ =	shalt  }
0x5d: {  	_ =	shalt  }
0x5e: {  	_ =	shalt  }
0x5f: {  	_ =	shalt  }
0x60: {  	_ =	shalt  }
0x61: {  	_ =	shalt  }
0x62: {  	_ =	shalt  }
0x63: {  	_ =	shalt  }
0x64: {  	_ =	shalt  }
0x65: {  	_ =	shalt  }
0x66: {  	_ =	shalt  }
0x67: {  	_ =	shalt  }
0x68: {  	_ =	shalt  }
0x69: {  	_ =	shalt  }
0x6a: {  	_ =	shalt  }
0x6b: {  	_ =	shalt  }
0x6c: {  	_ =	shalt  }
0x6d: {  	_ =	shalt  }
0x6e: {  	_ =	shalt  }
0x6f: {  	_ =	shalt  }
0x70: {  	_ =	shalt  }
0x71: {  	_ =	shalt  }
0x72: {  	_ =	shalt  }
0x73: {  	_ =	shalt  }
0x74: {  	_ =	shalt  }
0x75: {  	_ =	shalt  }
0x76: {  	_ =	shalt  }
0x77: {  	_ =	shalt  }
0x78: {  	_ =	shalt  }
0x79: {  	_ =	shalt  }
0x7a: {  	_ =	shalt  }
0x7b: {  	_ =	shalt  }
0x7c: {  	_ =	shalt  }
0x7d: {  	_ =	shalt  }
0x7e: {  	_ =	shalt  }
0x7f: {  	_ =	shalt  }
0x80: {  	_ =	shalt  }
0x81: {  	_ =	shalt  }
0x82: {  	_ =	shalt  }
0x83: {  	_ =	shalt  }
0x84: {  	_ =	shalt  }
0x85: {  	_ =	shalt  }
0x86: {  	_ =	shalt  }
0x87: {  	_ =	shalt  }
.Lfunc_end0:
.L_simem_size_0:
called_computation.1_lowered:
.L_overlay_start_0:
0x88: {  	s2 =	sld [smem:$0x3FD9]  }
0x89: {  	s3 =	sld [smem:$0x3FFE];
	_ =	sdelay $0x1  }
0x8a: {  	s1 =	srdreg.scid  }
0x8b: {  	s0 =	sand.u32 $0x1, s1  }
0x8c: {  	s16 =	sshll.u32 s0, $0xA;
	s2 =	sadd.s32 s3, s2  }
0x8d: {  	s2 =	sadd.s32 s2, s16  }
0x8e: {  	[smem:$0x3FC0] =	sst s2  }
0x8f: {  	_ = 	snop  }
0x90: {  	(tm) =	ssettm $0x1  }
0x91: {  	s17 =	sld [smem:$0x3FFB];
	_ =	sdelay $0x3  }
0x92: {  	_ =	strace s17  }
0x93: {  	s2 =	sld [smem:$0x3FFC];
	_ =	sdelay $0x3  }
0x94: {  	_ =	strace s2  }
0x95: {  	s2 =	sld [smem:$0x3FFD];
	_ =	sdelay $0x3  }
0x96: {  	_ =	strace s2  }
0x97: {  	_ =	strace $0x8FFFFFFF  }
0x98: {  	s18 =	sld [smem:$0x3FDB];
	_ =	sdelay $0x1  }
0x99: {  	s19 =	simm.s32 $_scs_section_size  }
0x9a: {  	s4 =	simm.s32 $_size__tile_overlayer_lowered;
	s5 =	simm.s32 $_tile_overlayer_lowered  }
0x9b: {  	s22 =	simm.s32 $0x1BFF;
	s21 =	sshll.u32 s5, $0x1;
	s2 =	sadd.s32 s19, s18  }
0x9c: {  	s6 =	simm.s32 $0x0;
	s20 =	sshll.u32 s4, $0x1;
	s4 =	sadd.s32 s21, s2  }
0x9d: {  	[timem:s6], [sflag:s22] =	dma.local [hbm:s4], s20  }
0x9e: {  	_ =	swait.ge [sflag:s22], s20  }
0x9f: {  	s3 =	ssub.s32 $0x0, s20;
	[sflag:s22] =	ssyncset.done $0x0  }
0xa0: {  	[sflag:s22] =	ssyncadd.s32 s3;
	_ =	sdelay $0x1  }
0xa1: {  	s23 =	simm.s32 $0x1B8B  }
0xa2: {  	_ =	swait.ge [sflag:s23], $0x1  }
0xa3: {  	[sflag:s23] =	ssyncset.done $0x0  }
0xa4: {  	s25 =	simm.s32 $0x1B8E;
	s24 =	sld [smem:$0x3FFE];
	[sflag:s23] =	ssyncadd.s32 $0xFFFFFFFF  }
0xa5: {  	s26 =	simm.s32 $execute0_lowered;
	[smem:$0x3FD2] =	sst s25  }
0xa6: {  	s4 =	sshll.u32 s26, $0x1;
	_ =	strace $0x80000049;
	[dreg:$0x1] =	wrdreg $0xFFFFFFFF  }
0xa7: {  	s28 =	simm.s32 $_size_execute0_lowered;
	s2 =	sadd.s32 s2, s4;
	[dreg:$0x0] =	wrdreg $0x0  }
0xa8: {  	s4 =	sshll.u32 s28, $0x1;
	[dreg:$0x2] =	wrdreg s2  }
0xa9: {  	[dreg:$0x3] =	wrdreg s4  }
0xaa: {  	[dreg:$0x4] =	wrdreg $0xC0  }
0xab: {  	_ =	task [dreg:s6], $0x5FFFF  }
0xac: {  	[dreg:$0x1] =	wrdreg $0xFFFFFFFF  }
0xad: {  	[dreg:$0x0] =	wrdreg $0x60  }
0xae: {  	[dreg:$0x2] =	wrdreg s24  }
0xaf: {  	[dreg:$0x3] =	wrdreg $0xA8000  }
0xb0: {  	[dreg:$0x4] =	wrdreg $0x9  }
0xb1: {  	_ =	task.clear_ibuf [dreg:s6], $0x5FFFF;
	_ =	strace $0x90000049  }
0xb2: {  	s29 =	simm.s32 $0x9;
	_ =	strace $0x8000004B  }
0xb3: {  	_ =	swait.ge [sflag:s29], $0x1  }
0xb4: {  	[sflag:s29] =	ssyncadd.s32 $0xFFFFFFFF  }
0xb5: {  	_ =	strace $0x9000004B  }
0xb6: {  	_ =	sfence  }
0xb7: {  	s30 =	sld [smem:$0x0];
	_ =	sdelay $0x2  }
0xb8: {  	s31 =	sshll.u32 s1, $0xD;
	s1 =	sshrl.u32 s1, $0x2  }
0xb9: {  	s3 =	sand.u32 $0x4000, s31;
	s1 =	sadd.s32 s1, s30  }
0xba: {  	s0 =	sor.u32 s3, s0;
	s1 =	sshll.u32 s1, $0x11  }
0xbb: {  	s0 =	sor.u32 s1, s0  }
0xbc: {  	s0 =	sadd.s32 $0x8F2B, s0  }
0xbd: {  	[sflag:s0] =	ssyncadd.remote.s32 $0x1  }
0xbe: {  	_ =	sfence.sel $0xFFFF  }
0xbf: {  	[dreg:$0x0] =	wrdreg $0xFFFFFFFF;
	(pc) =	sbr.abs _section_cstart, $3  }
0xc0: {  	[dreg:$0x1] =	wrdreg $0xFFFFFFFF  }
0xc1: {  	_ =	task.clear_ibuf [dreg:s6], $0x2FFFF;
	_ =	strace $0x9FFFFFFF  }
0xc2: {  	(tm) =	ssettm $0x7FFFFFFF  }
0xc3: {  	_ =	shalt  }
tec
execute0_lowered:
.L_overlay_start_1:
0x0: {  	(tag) =	ssettag $0x1  }
0x1: {  	s6 =	rddreg [dreg:$0x0]  }
0x2: {  	s2 =	rddreg [dreg:$0x1]  }
0x3: {  	s3 =	simm.s32 $0x0;
	s0 =	stileid.u32;
	s7 =	srdreg.scid  }
0x4: {  	s17 =	simm.s32 $0x3;
	s18 =	simm.s32 $0x1400;
	s19 =	simm.s32 $0x80  }
0x5: {  	s20 =	simm.s32 $0x2800;
	s21 =	simm.s32 $0x1;
	s22 =	simm.s32 $0x6800  }
0x6: {  	s28 =	simm.s32 $0x2700;
	s29 =	simm.s32 $0x2780;
	s30 =	simm.s32 $0x0  }
0x7: {  	[smem:$0x7FF] =	sst s3;
	s4 =	sadd.s32 $0x20200, s6;
	s5 =	smul.u32 $0x2780, s0  }
0x8: {  	s12 =	sadd.s32 $0x16200, s6;
	s13 =	sadd.s32 $0x2200, s6;
	s8 =	smul.u32 $0x4F000, s0  }
0x9: {  	s7 =	sand.u32 $0x1, s7;
	s9 =	sadd.s32 $0x6EE00, s6;
	s15 =	smul.u32 $0x13800, s0  }
0xa: {  	s26 =	smul.u32 $0x4E000, s0;
	p0 =	seq.s32 s0, $0xF;
	_ =	strace $0x8000004A  }
0xb: {  	s10 =	ssub.s32 $0x2, s7;
	s11 =	smul.u32 $0x138800, s7;
	s7 =	sshll.u32 s7, $0x4  }
0xc: {  	s5 =	sadd.s32 s5, s6;
	s14 =	sshrl.u32 s10, $0x1;
	s23 =	sor.u32 s0, s7  }
0xd: {  	s24 =	sshrl.u32 s8, $0x2;
	s6 =	sadd.s32 $0x6C480, s6;
	s8 =	sshrl.u32 s26, $0x2  }
0xe: {  	s26 =	simm.s32 $0x1380;
	s10 =	ssub.s32 s10, s14;
	s16 =	sadd.s32 s24, s2  }
0xf: {  	s5 =	sadd.s32 $0x47400, s5;
	s25 =	sadd.s32 s15, s11;
	s15 =	sadd.s32 $0x128400, s2  }
0x10: {  	s11 =	sshrl.u32 s11, $0x3;
	s31 =	smul.u32 $0x500, s23;
	s24 =	sadd.s32 $0x124800, s2  }
0x11: {  	s23 =	simm.s32 $0x2;
	s7 =	sshrl.u32 s25, $0x3;
	s25 =	sadd.s32 s8, s2  }
0x12: {  	s16 =	sshrl.u32 @!p0 s16, $0x3;
	s7 =	sadd.s32 s9, s7;
	s9 =	sadd.s32 s9, s11  }
0x13: {  	s14 =	sadd.s32 $0x280, s31;
	s11 =	sadd.s32 s13, s31;
	s8 =	sadd.s32 $0x24900, s9  }
0x14: {  	s9 =	smax.u32 s10, $0x1;
	s10 =	sadd.s32 s12, s31;
	s12 =	sadd.s32 s12, s14  }
0x15: {  	s13 =	sadd.s32 s13, s14;
	s14 =	sshrl.u32 @p0 s15, $0x3;
	s15 =	sshll.u32 @!p0 s0, $0x6  }
0x16: {  	s24 =	sshrl.u32 @p0 s24, $0x3;
	s25 =	sshrl.u32 @!p0 s25, $0x3;
	s15 =	sor.u32 @!p0 $0x1C03, s15  }
.LBB2_1:
0x17: {  	s31 =	simm.s32 @p0 $0x1FC3  }
0x18: {  	[spmem:s14], [sflag:s31] =	dma.local @p0 [hbm:s6], $0x2880  }
0x19: {  	s31 =	simm.s32 @p0 $0x3  }
0x1a: {  	_ =	swait.ge @p0 [sflag:s31], $0x2880  }
0x1b: {  	[sflag:s31] =	ssyncset.done @p0 $0x0  }
0x1c: {  	[sflag:s31] =	ssyncadd.s32 @p0 $0xFFFFD780;
	s31 =	simm.s32 @!p0 $0x3  }
0x1d: {  	[spmem:s16], [sflag:s15] =	dma.local @!p0 [hbm:s5], $0x2780  }
0x1e: {  	_ =	swait.ge @!p0 [sflag:s31], $0x2780  }
0x1f: {  	[sflag:s31] =	ssyncset.done @!p0 $0x0  }
0x20: {  	[sflag:s31] =	ssyncadd.s32 @!p0 $0xFFFFD880  }
0x21: {  	[bflag:$0x0] =	sbarrier.arrive $0xFFFF  }
0x22: {  	[tilespmem:s3], [sflag:$0x3] =	stream.linear.gather [hbm4b:s10+s3], $0x1400, $0x38;
	[tilespmem:$0x1E480] =	vst v63  }
0x23: {  	_ =	swait.ge [sflag:s17], $0x1400  }
0x24: {  	[sflag:s17] =	ssyncset.done $0x0  }
0x25: {  	[sflag:s17] =	ssyncadd.s32 $0xFFFFEC00  }
0x26: {  	[tilespmem:s18], [sflag:$0x3] =	stream.linear.gather [hbm4b:s11+s3], $0x1400, $0x38;
	[tilespmem:$0x1E480] =	vst v63  }
0x27: {  	_ =	swait.ge [sflag:s17], $0x1400  }
0x28: {  	[sflag:s17] =	ssyncset.done $0x0  }
0x29: {  	[sflag:s17] =	ssyncadd.s32 $0xFFFFEC00  }
0x2a: {  	[tilespmem:s20], [sflag:$0x1] =	stream.indirect.gather [hbm4b:s4+s19], $0x80, s3, s19, $0xb8;
	[tilespmem:$0x1E480] =	vst v63  }
0x2b: {  	_ =	swait.ge [sflag:s21], $0x4000  }
0x2c: {  	[sflag:s21] =	ssyncset.done $0x0  }
0x2d: {  	s31 =	simm.s32 $0x80;
	[sflag:s21] =	ssyncadd.s32 $0xFFFFC000  }
0x2e: {  	[tilespmem:s22], [sflag:$0x2] =	stream.indirect.gather [hbm4b:s4+s19], $0x80, s31, s19, $0xb8;
	[tilespmem:$0x1E480] =	vst v63  }
0x2f: {  	s31 =	simm.s32 $0x1400  }
0x30: {  	[spmem:s2] =	stream.indirect.scatter.add.f32 [tilespmem:s20], [sflag:$0x3], $0x80, s31, s19, $0xb8;
	[tilespmem:$0x1E480] =	vst v63  }
0x31: {  	_ =	swait.ge [sflag:s17], $0x4000  }
0x32: {  	[sflag:s17] =	ssyncset.done $0x0  }
0x33: {  	[sflag:s17] =	ssyncadd.s32 $0xFFFFC000  }
0x34: {  	_ =	swait.ge [sflag:s23], $0x4000  }
0x35: {  	[sflag:s23] =	ssyncset.done $0x0  }
0x36: {  	s31 =	simm.s32 $0x100;
	[sflag:s23] =	ssyncadd.s32 $0xFFFFC000  }
0x37: {  	[tilespmem:s20], [sflag:$0x1] =	stream.indirect.gather [hbm4b:s4+s19], $0x80, s31, s19, $0xb8;
	[tilespmem:$0x1E480] =	vst v63  }
0x38: {  	s31 =	simm.s32 $0x1480  }
0x39: {  	[spmem:s2] =	stream.indirect.scatter.add.f32 [tilespmem:s22], [sflag:$0x3], $0x80, s31, s19, $0xb8;
	[tilespmem:$0x1E480] =	vst v63  }
0x3a: {  	_ =	swait.ge [sflag:s17], $0x4000  }
0x3b: {  	s31 =	simm.s32 $0x400;
	[sflag:s17] =	ssyncset.done $0x0  }
.LBB2_2:
0x3c: {  	p1 =	sne.s32 s31, $0x4800  }
0x3d: {  	[sflag:s17] =	ssyncadd.s32 $0xFFFFC000;
	s0 =	smov.u32 s31;
	s31 =	sadd.s32 $0x400, s31  }
0x3e: {  	_ = 	snop  }
0x3f: {  	_ =	swait.ge [sflag:s21], $0x4000  }
0x40: {  	s0 =	sshra.s32 s0, $0x2;
	[sflag:s21] =	ssyncset.done $0x0  }
0x41: {  	s1 =	sadd.s32 $0x80, s0;
	[sflag:s21] =	ssyncadd.s32 $0xFFFFC000  }
0x42: {  	[tilespmem:s22], [sflag:$0x2] =	stream.indirect.gather [hbm4b:s4+s19], $0x80, s1, s19, $0xb8;
	[tilespmem:$0x1E480] =	vst v63  }
0x43: {  	s1 =	sadd.s32 $0x1400, s0  }
0x44: {  	[spmem:s2] =	stream.indirect.scatter.add.f32 [tilespmem:s20], [sflag:$0x3], $0x80, s1, s19, $0xb8;
	[tilespmem:$0x1E480] =	vst v63  }
0x45: {  	_ =	swait.ge [sflag:s17], $0x4000  }
0x46: {  	[sflag:s17] =	ssyncset.done $0x0  }
0x47: {  	[sflag:s17] =	ssyncadd.s32 $0xFFFFC000  }
0x48: {  	_ =	swait.ge [sflag:s23], $0x4000  }
0x49: {  	[sflag:s23] =	ssyncset.done $0x0  }
0x4a: {  	s1 =	sadd.s32 $0x100, s0;
	[sflag:s23] =	ssyncadd.s32 $0xFFFFC000  }
0x4b: {  	[tilespmem:s20], [sflag:$0x1] =	stream.indirect.gather [hbm4b:s4+s19], $0x80, s1, s19, $0xb8;
	[tilespmem:$0x1E480] =	vst v63  }
.Ltmp0:
0x4c: {  	_ = 	snop;
	(pc) =	sbr.rel @p1 .LBB2_2-.Ltmp0, $4  }
0x4d: {  	s0 =	sadd.s32 $0x1480, s0  }
0x4e: {  	[spmem:s2] =	stream.indirect.scatter.add.f32 [tilespmem:s22], [sflag:$0x3], $0x80, s0, s19, $0xb8;
	[tilespmem:$0x1E480] =	vst v63  }
0x4f: {  	_ =	swait.ge [sflag:s17], $0x4000  }
0x50: {  	[sflag:s17] =	ssyncset.done $0x0  }
0x51: {  	[sflag:s17] =	ssyncadd.s32 $0xFFFFC000  }
0x52: {  	_ =	swait.ge [sflag:s21], $0x4000  }
0x53: {  	[sflag:s21] =	ssyncset.done $0x0  }
0x54: {  	[sflag:s21] =	ssyncadd.s32 $0xFFFFC000  }
0x55: {  	[tilespmem:s22], [sflag:$0x2] =	stream.indirect.gather [hbm4b:s4+s19], $0x80, s26, s19, $0xb8;
	[tilespmem:$0x1E480] =	vst v63  }
0x56: {  	_ = 	snop  }
0x57: {  	[spmem:s2] =	stream.indirect.scatter.add.f32 [tilespmem:s20], [sflag:$0x3], $0x80, s28, s19, $0xb8;
	[tilespmem:$0x1E480] =	vst v63  }
0x58: {  	_ =	swait.ge [sflag:s17], $0x4000  }
0x59: {  	[sflag:s17] =	ssyncset.done $0x0  }
0x5a: {  	[sflag:s17] =	ssyncadd.s32 $0xFFFFC000  }
0x5b: {  	_ =	swait.ge [sflag:s23], $0x4000  }
0x5c: {  	[sflag:s23] =	ssyncset.done $0x0  }
0x5d: {  	[sflag:s23] =	ssyncadd.s32 $0xFFFFC000  }
0x5e: {  	[spmem:s2] =	stream.indirect.scatter.add.f32 [tilespmem:s22], [sflag:$0x3], $0x80, s29, s19, $0xb8;
	[tilespmem:$0x1E480] =	vst v63  }
0x5f: {  	_ =	swait.ge [sflag:s17], $0x4000  }
0x60: {  	[sflag:s17] =	ssyncset.done $0x0  }
0x61: {  	s0 =	simm.s32 $0x0;
	[sflag:s17] =	ssyncadd.s32 $0xFFFFC000  }
0x62: {  	[tilespmem:s0], [sflag:$0x3] =	stream.linear.gather [hbm4b:s12+s0], $0x1400, $0x38;
	[tilespmem:$0x1E480] =	vst v63  }
0x63: {  	_ =	swait.ge [sflag:s17], $0x1400  }
0x64: {  	[sflag:s17] =	ssyncset.done $0x0  }
0x65: {  	[sflag:s17] =	ssyncadd.s32 $0xFFFFEC00  }
0x66: {  	[tilespmem:s18], [sflag:$0x3] =	stream.linear.gather [hbm4b:s13+s0], $0x1400, $0x38;
	[tilespmem:$0x1E480] =	vst v63  }
0x67: {  	_ =	swait.ge [sflag:s17], $0x1400  }
0x68: {  	[sflag:s17] =	ssyncset.done $0x0  }
0x69: {  	[sflag:s17] =	ssyncadd.s32 $0xFFFFEC00  }
0x6a: {  	[tilespmem:s20], [sflag:$0x1] =	stream.indirect.gather [hbm4b:s4+s19], $0x80, s0, s19, $0xb8;
	[tilespmem:$0x1E480] =	vst v63  }
0x6b: {  	_ =	swait.ge [sflag:s21], $0x4000  }
0x6c: {  	[sflag:s21] =	ssyncset.done $0x0  }
0x6d: {  	s1 =	simm.s32 $0x80;
	[sflag:s21] =	ssyncadd.s32 $0xFFFFC000  }
0x6e: {  	[tilespmem:s22], [sflag:$0x2] =	stream.indirect.gather [hbm4b:s4+s19], $0x80, s1, s19, $0xb8;
	[tilespmem:$0x1E480] =	vst v63  }
0x6f: {  	s1 =	simm.s32 $0x1400  }
0x70: {  	[spmem:s2] =	stream.indirect.scatter.add.f32 [tilespmem:s20], [sflag:$0x3], $0x80, s1, s19, $0xb8;
	[tilespmem:$0x1E480] =	vst v63  }
0x71: {  	_ =	swait.ge [sflag:s17], $0x4000  }
0x72: {  	[sflag:s17] =	ssyncset.done $0x0  }
0x73: {  	[sflag:s17] =	ssyncadd.s32 $0xFFFFC000  }
0x74: {  	_ =	swait.ge [sflag:s23], $0x4000  }
0x75: {  	[sflag:s23] =	ssyncset.done $0x0  }
0x76: {  	s1 =	simm.s32 $0x100;
	[sflag:s23] =	ssyncadd.s32 $0xFFFFC000  }
0x77: {  	[tilespmem:s20], [sflag:$0x1] =	stream.indirect.gather [hbm4b:s4+s19], $0x80, s1, s19, $0xb8;
	[tilespmem:$0x1E480] =	vst v63  }
0x78: {  	s1 =	simm.s32 $0x1480  }
0x79: {  	[spmem:s2] =	stream.indirect.scatter.add.f32 [tilespmem:s22], [sflag:$0x3], $0x80, s1, s19, $0xb8;
	[tilespmem:$0x1E480] =	vst v63  }
0x7a: {  	_ =	swait.ge [sflag:s17], $0x4000  }
0x7b: {  	s31 =	simm.s32 $0x400;
	[sflag:s17] =	ssyncset.done $0x0  }
.LBB2_4:
0x7c: {  	p1 =	sne.s32 s31, $0x4800  }
0x7d: {  	[sflag:s17] =	ssyncadd.s32 $0xFFFFC000;
	s0 =	smov.u32 s31;
	s31 =	sadd.s32 $0x400, s31  }
0x7e: {  	_ = 	snop  }
0x7f: {  	_ =	swait.ge [sflag:s21], $0x4000  }
0x80: {  	s0 =	sshra.s32 s0, $0x2;
	[sflag:s21] =	ssyncset.done $0x0  }
0x81: {  	s1 =	sadd.s32 $0x80, s0;
	[sflag:s21] =	ssyncadd.s32 $0xFFFFC000  }
0x82: {  	[tilespmem:s22], [sflag:$0x2] =	stream.indirect.gather [hbm4b:s4+s19], $0x80, s1, s19, $0xb8;
	[tilespmem:$0x1E480] =	vst v63  }
0x83: {  	s1 =	sadd.s32 $0x1400, s0  }
0x84: {  	[spmem:s2] =	stream.indirect.scatter.add.f32 [tilespmem:s20], [sflag:$0x3], $0x80, s1, s19, $0xb8;
	[tilespmem:$0x1E480] =	vst v63  }
0x85: {  	_ =	swait.ge [sflag:s17], $0x4000  }
0x86: {  	[sflag:s17] =	ssyncset.done $0x0  }
0x87: {  	[sflag:s17] =	ssyncadd.s32 $0xFFFFC000  }
0x88: {  	_ =	swait.ge [sflag:s23], $0x4000  }
0x89: {  	[sflag:s23] =	ssyncset.done $0x0  }
0x8a: {  	s1 =	sadd.s32 $0x100, s0;
	[sflag:s23] =	ssyncadd.s32 $0xFFFFC000  }
0x8b: {  	[tilespmem:s20], [sflag:$0x1] =	stream.indirect.gather [hbm4b:s4+s19], $0x80, s1, s19, $0xb8;
	[tilespmem:$0x1E480] =	vst v63  }
.Ltmp1:
0x8c: {  	_ = 	snop;
	(pc) =	sbr.rel @p1 .LBB2_4-.Ltmp1, $4  }
0x8d: {  	s0 =	sadd.s32 $0x1480, s0  }
0x8e: {  	[spmem:s2] =	stream.indirect.scatter.add.f32 [tilespmem:s22], [sflag:$0x3], $0x80, s0, s19, $0xb8;
	[tilespmem:$0x1E480] =	vst v63  }
0x8f: {  	_ =	swait.ge [sflag:s17], $0x4000  }
0x90: {  	[sflag:s17] =	ssyncset.done $0x0  }
0x91: {  	[sflag:s17] =	ssyncadd.s32 $0xFFFFC000  }
0x92: {  	_ =	swait.ge [sflag:s21], $0x4000  }
0x93: {  	[sflag:s21] =	ssyncset.done $0x0  }
0x94: {  	[sflag:s21] =	ssyncadd.s32 $0xFFFFC000  }
0x95: {  	[tilespmem:s22], [sflag:$0x2] =	stream.indirect.gather [hbm4b:s4+s19], $0x80, s26, s19, $0xb8;
	[tilespmem:$0x1E480] =	vst v63  }
0x96: {  	_ = 	snop  }
0x97: {  	[spmem:s2] =	stream.indirect.scatter.add.f32 [tilespmem:s20], [sflag:$0x3], $0x80, s28, s19, $0xb8;
	[tilespmem:$0x1E480] =	vst v63  }
0x98: {  	_ =	swait.ge [sflag:s17], $0x4000  }
0x99: {  	[sflag:s17] =	ssyncset.done $0x0  }
0x9a: {  	[sflag:s17] =	ssyncadd.s32 $0xFFFFC000  }
0x9b: {  	_ =	swait.ge [sflag:s23], $0x4000  }
0x9c: {  	[sflag:s23] =	ssyncset.done $0x0  }
0x9d: {  	[sflag:s23] =	ssyncadd.s32 $0xFFFFC000  }
0x9e: {  	[spmem:s2] =	stream.indirect.scatter.add.f32 [tilespmem:s22], [sflag:$0x3], $0x80, s29, s19, $0xb8;
	[tilespmem:$0x1E480] =	vst v63  }
0x9f: {  	_ =	swait.ge [sflag:s17], $0x4000  }
0xa0: {  	[sflag:s17] =	ssyncset.done $0x0  }
0xa1: {  	[sflag:s17] =	ssyncadd.s32 $0xFFFFC000  }
0xa2: {  	s0 =	simm.s32 @p0 $0x1FC3;
	[bflag:$0x0] =	sbarrier.arrive $0xFFFF  }
0xa3: {  	[hbm:s8], [sflag:s0] =	dma.local @p0 [spmem:s24], $0x2800  }
0xa4: {  	s0 =	simm.s32 @p0 $0x3  }
0xa5: {  	s30 =	sadd.s32 $0x1, s30;
	_ =	swait.ge @p0 [sflag:s0], $0x2800  }
0xa6: {  	p1 =	sne.s32 s30, s9;
	[sflag:s0] =	ssyncset.done @p0 $0x0  }
.Ltmp2:
0xa7: {  	[sflag:s0] =	ssyncadd.s32 @p0 $0xFFFFD800;
	s0 =	simm.s32 @!p0 $0x3;
	(pc) =	sbr.rel @p1 .LBB2_1-.Ltmp2, $4  }
0xa8: {  	[hbm:s7], [sflag:s15] =	dma.local @!p0 [spmem:s25], $0x2700  }
0xa9: {  	_ =	swait.ge @!p0 [sflag:s0], $0x2700  }
0xaa: {  	[sflag:s0] =	ssyncset.done @!p0 $0x0  }
0xab: {  	[sflag:s0] =	ssyncadd.s32 @!p0 $0xFFFFD900  }
0xac: {  	_ =	sfence.sel $0x180000  }
0xad: {  	[bflag:$0x0] =	sbarrier.arrive $0xFFFF  }
0xae: {  	_ =	strace $0x9000004A  }
0xaf: {  	s0 =	stileid.u32;
	[bflag:$0x2] =	sbarrier.arrive $0xFFFF  }
0xb0: {  	p0 =	sne.s32 s0, $0x0;
	s0 =	rddreg [dreg:$0x2]  }
0xb1: {  	s0 =	sadd.s32 @!p0 $0x100000, s0  }
0xb2: {  	[sflag:s0] =	ssyncadd.tile.s32 @!p0 $0x1;
	_ =	shalt  }
.Lfunc_end2:
_tile_overlayer_lowered:
.L_overlay_start_2:
0xb3: {  	(tag) =	ssettag $0x2  }
0xb4: {  	s0 =	rddreg [dreg:$0x0];
	s2 =	stileid.u32  }
0xb5: {  	s1 =	rddreg [dreg:$0x1];
	p0 =	sne.s32 s2, $0x0  }
0xb6: {  	s3 =	rddreg [dreg:$0x2];
	[bflag:$0x3] =	sbarrier.arrive $0xFFFF;
	s2 =	simm.s32 @!p0 $0x1C03  }
0xb7: {  	[timem:s3], [sflag:s2] =	dma.local @!p0 [hbm:s0], s1  }
0xb8: {  	s0 =	simm.s32 @!p0 $0x3  }
0xb9: {  	_ =	swait.ge @!p0 [sflag:s0], s1  }
0xba: {  	s1 =	ssub.s32 @!p0 $0x0, s1;
	[sflag:s0] =	ssyncset.done @!p0 $0x0  }
0xbb: {  	[sflag:s0] =	ssyncadd.s32 @!p0 s1  }
0xbc: {  	[bflag:$0x3] =	sbarrier.arrive $0xFFFF  }
0xbd: {  	_ =	shalt  }

// kernel: kernel.15.cloned.1.call-start
scs
__scs_entry_jumppad:
0x0: {  	(pc) =	sbr.rel $0x88, $3  }
0x1: {  	(tag) =	ssettag $0x0;
	lr =	simm.s32 $0x1  }
0x2: {  	[smem:$0x3F99] =	sst lr;
	_ =	strace $0xD0000000  }
0x3: {  	_ = 	snop  }
0x4: {  	_ = 	snop  }
0x5: {  	_ = 	snop  }
0x6: {  	_ = 	snop  }
0x7: {  	_ = 	snop  }
__scs_overlays_trampoline_lowered:
0x8: {  	[smem:$0x3FA8] =	sst s0  }
0x9: {  	[smem:$0x3FA9] =	sst s1  }
0xa: {  	[smem:$0x3FAA] =	sst s2  }
0xb: {  	[smem:$0x3FAB] =	sst s3  }
0xc: {  	[smem:$0x3FAC] =	sst s4  }
0xd: {  	[smem:$0x3FAD] =	sst s5  }
0xe: {  	[smem:$0x3FAE] =	sst s6  }
0xf: {  	[smem:$0x3FAF] =	sst s7  }
0x10: {  	[smem:$0x3FB0] =	sst s8  }
0x11: {  	[smem:$0x3FB1] =	sst s9;
	s0 =	simm.s32 @!p0 $0x0  }
0x12: {  	s1 =	sld [smem:$0x3F97];
	s0 =	simm.s32 @p0 $0x1  }
0x13: {  	[smem:$0x3FB2] =	sst s0;
	s0 =	simm.s32 @!p1 $0x0  }
0x14: {  	s2 =	sld [smem:$0x3F96];
	s0 =	simm.s32 @p1 $0x1  }
0x15: {  	[smem:$0x3FB3] =	sst s0;
	s0 =	simm.s32 @!p2 $0x0  }
0x16: {  	s3 =	sld [smem:$0x3FDB];
	s0 =	simm.s32 @p2 $0x1  }
0x17: {  	s4 =	simm.s32 $0x1BF5;
	[smem:$0x3FB5] =	sst s0  }
0x18: {  	s0 =	sld [smem:$0x3F98];
	_ =	swait.ge [sflag:s4], $0x0  }
0x19: {  	s7 =	sld [smem:$0x3F99]  }
0x1a: {  	s8 =	sadd.s32 $0xFFFFE003, lr  }
0x1b: {  	s9 =	sadd.s32 $0xFFFFFEF7, lr;
	s5 =	simm.s32 $0xFFFFFFFF;
	p2 =	slt.u32 s8, $0xFFFFF086  }
0x1c: {  	p1 =	slt.u32 s9, $0xF7A;
	s5 =	simm.s32 @!p2 $0x0  }
0x1d: {  	s5 =	simm.s32 @p1 $0x1;
	p0 =	seq.s32 s7, s2  }
0x1e: {  	s7 =	smul.u32 @!p0 $0xF7A, s2;
	p2 =	seq.s32 @!p0 s5, $0x0  }
0x1f: {  	s9 =	smul.u32 $0xF7A, s1;
	s8 =	simm.s32 @!p0 $0x1BF5;
	p2 =	por !p2, p0  }
0x20: {  	[sflag:s8] =	ssyncset.s32 @!p0 $0xFFFFF086;
	s6 =	sadd.s32 @!p0 s3, s7;
	s7 =	simm.s32 @!p0 $0x108  }
0x21: {  	s3 =	sadd.s32 s3, s9;
	s6 =	sadd.s32 @!p0 $0x88, s6;
	s7 =	simm.s32 @p2 $0x1082  }
0x22: {  	[simem:s7], [sflag:s8] =	dma.local @!p0 [hbm:s6], $0xF7A  }
0x23: {  	s9 =	sor.u32 $0xD0000000, s2;
	s6 =	simm.s32 $0x108;
	_ =	swait.ge @!p0 [sflag:s8], $0x0  }
0x24: {  	s3 =	sadd.s32 $0x88, s3;
	s6 =	simm.s32 @!p1 $0x1082;
	[sflag:s4] =	ssyncset.s32 $0xFFFFF086  }
0x25: {  	[simem:s6], [sflag:s4] =	dma.local [hbm:s3], $0xF7A  }
0x26: {  	[smem:$0x3F99] =	sst s1;
	(tag) =	ssettag s2;
	_ =	strace s9  }
0x27: {  	s1 =	sld [smem:$0x3FA9]  }
0x28: {  	s2 =	sld [smem:$0x3FAA]  }
0x29: {  	s4 =	sld [smem:$0x3FAC]  }
0x2a: {  	p0 =	seq.s32 s5, $0x0;
	s5 =	sld [smem:$0x3FAD]  }
0x2b: {  	s6 =	sld [smem:$0x3FAE]  }
0x2c: {  	s7 =	sld [smem:$0x3FAF]  }
0x2d: {  	s3 =	simm.s32 $0x108;
	s8 =	sld [smem:$0x3FB0]  }
0x2e: {  	s3 =	simm.s32 @!p0 $0x1082;
	s9 =	sld [smem:$0x3FB1]  }
0x2f: {  	lr =	sadd.s32 s0, s3;
	s0 =	sld [smem:$0x3FA8]  }
0x30: {  	s3 =	sld [smem:$0x3FAB]  }
0x31: {  	[smem:$0x3FB4] =	sst s10  }
0x32: {  	s10 =	sld [smem:$0x3FB2];
	_ =	sdelay $0x3  }
0x33: {  	p0 =	seq.s32 s10, $0x1;
	s10 =	sld [smem:$0x3FB4];
	_ =	sdelay $0x3  }
0x34: {  	[smem:$0x3FB4] =	sst s10  }
0x35: {  	s10 =	sld [smem:$0x3FB3];
	_ =	sdelay $0x3  }
0x36: {  	p1 =	seq.s32 s10, $0x1;
	s10 =	sld [smem:$0x3FB4];
	_ =	sdelay $0x3  }
0x37: {  	[smem:$0x3FB4] =	sst s10  }
0x38: {  	s10 =	sld [smem:$0x3FB5]  }
0x39: {  	_ = 	snop;
	(pc) =	sbr.ind lr, $3  }
0x3a: {  	_ = 	snop  }
0x3b: {  	_ = 	snop  }
0x3c: {  	p2 =	seq.s32 s10, $0x1;
	s10 =	sld [smem:$0x3FB4]  }
0x3d: {  	_ =	shalt  }
0x3e: {  	_ =	shalt  }
0x3f: {  	_ =	shalt  }
0x40: {  	_ =	shalt  }
0x41: {  	_ =	shalt  }
0x42: {  	_ =	shalt  }
0x43: {  	_ =	shalt  }
0x44: {  	_ =	shalt  }
0x45: {  	_ =	shalt  }
0x46: {  	_ =	shalt  }
0x47: {  	_ =	shalt  }
0x48: {  	_ =	shalt  }
0x49: {  	_ =	shalt  }
0x4a: {  	_ =	shalt  }
0x4b: {  	_ =	shalt  }
0x4c: {  	_ =	shalt  }
0x4d: {  	_ =	shalt  }
0x4e: {  	_ =	shalt  }
0x4f: {  	_ =	shalt  }
0x50: {  	_ =	shalt  }
0x51: {  	_ =	shalt  }
0x52: {  	_ =	shalt  }
0x53: {  	_ =	shalt  }
0x54: {  	_ =	shalt  }
0x55: {  	_ =	shalt  }
0x56: {  	_ =	shalt  }
0x57: {  	_ =	shalt  }
0x58: {  	_ =	shalt  }
0x59: {  	_ =	shalt  }
0x5a: {  	_ =	shalt  }
0x5b: {  	_ =	shalt  }
0x5c: {  	_ =	shalt  }
0x5d: {  	_ =	shalt  }
0x5e: {  	_ =	shalt  }
0x5f: {  	_ =	shalt  }
0x60: {  	_ =	shalt  }
0x61: {  	_ =	shalt  }
0x62: {  	_ =	shalt  }
0x63: {  	_ =	shalt  }
0x64: {  	_ =	shalt  }
0x65: {  	_ =	shalt  }
0x66: {  	_ =	shalt  }
0x67: {  	_ =	shalt  }
0x68: {  	_ =	shalt  }
0x69: {  	_ =	shalt  }
0x6a: {  	_ =	shalt  }
0x6b: {  	_ =	shalt  }
0x6c: {  	_ =	shalt  }
0x6d: {  	_ =	shalt  }
0x6e: {  	_ =	shalt  }
0x6f: {  	_ =	shalt  }
0x70: {  	_ =	shalt  }
0x71: {  	_ =	shalt  }
0x72: {  	_ =	shalt  }
0x73: {  	_ =	shalt  }
0x74: {  	_ =	shalt  }
0x75: {  	_ =	shalt  }
0x76: {  	_ =	shalt  }
0x77: {  	_ =	shalt  }
0x78: {  	_ =	shalt  }
0x79: {  	_ =	shalt  }
0x7a: {  	_ =	shalt  }
0x7b: {  	_ =	shalt  }
0x7c: {  	_ =	shalt  }
0x7d: {  	_ =	shalt  }
0x7e: {  	_ =	shalt  }
0x7f: {  	_ =	shalt  }
0x80: {  	_ =	shalt  }
0x81: {  	_ =	shalt  }
0x82: {  	_ =	shalt  }
0x83: {  	_ =	shalt  }
0x84: {  	_ =	shalt  }
0x85: {  	_ =	shalt  }
0x86: {  	_ =	shalt  }
0x87: {  	_ =	shalt  }
.Lfunc_end0:
.L_simem_size_0:
called_computation.2_lowered:
.L_overlay_start_0:
0x88: {  	s2 =	sld [smem:$0x3FD9]  }
0x89: {  	s3 =	sld [smem:$0x3FFE];
	_ =	sdelay $0x1  }
0x8a: {  	s1 =	srdreg.scid  }
0x8b: {  	s0 =	sand.u32 $0x1, s1  }
0x8c: {  	s16 =	sshll.u32 s0, $0xA;
	s2 =	sadd.s32 s3, s2  }
0x8d: {  	s2 =	sadd.s32 s2, s16  }
0x8e: {  	[smem:$0x3FC0] =	sst s2  }
0x8f: {  	_ = 	snop  }
0x90: {  	(tm) =	ssettm $0x1  }
0x91: {  	s17 =	sld [smem:$0x3FFB];
	_ =	sdelay $0x3  }
0x92: {  	_ =	strace s17  }
0x93: {  	s2 =	sld [smem:$0x3FFC];
	_ =	sdelay $0x3  }
0x94: {  	_ =	strace s2  }
0x95: {  	s2 =	sld [smem:$0x3FFD];
	_ =	sdelay $0x3  }
0x96: {  	_ =	strace s2  }
0x97: {  	_ =	strace $0x8FFFFFFF  }
0x98: {  	s18 =	sld [smem:$0x3FDB];
	_ =	sdelay $0x1  }
0x99: {  	s19 =	simm.s32 $_scs_section_size  }
0x9a: {  	s4 =	simm.s32 $_size__tile_overlayer_lowered;
	s5 =	simm.s32 $_tile_overlayer_lowered  }
0x9b: {  	s22 =	simm.s32 $0x1BFF;
	s21 =	sshll.u32 s5, $0x1;
	s2 =	sadd.s32 s19, s18  }
0x9c: {  	s6 =	simm.s32 $0x0;
	s20 =	sshll.u32 s4, $0x1;
	s4 =	sadd.s32 s21, s2  }
0x9d: {  	[timem:s6], [sflag:s22] =	dma.local [hbm:s4], s20  }
0x9e: {  	_ =	swait.ge [sflag:s22], s20  }
0x9f: {  	s3 =	ssub.s32 $0x0, s20;
	[sflag:s22] =	ssyncset.done $0x0  }
0xa0: {  	[sflag:s22] =	ssyncadd.s32 s3;
	_ =	sdelay $0x1  }
0xa1: {  	s23 =	simm.s32 $0x1B8B  }
0xa2: {  	_ =	swait.ge [sflag:s23], $0x1  }
0xa3: {  	[sflag:s23] =	ssyncset.done $0x0  }
0xa4: {  	s25 =	simm.s32 $0x1B8E;
	s24 =	sld [smem:$0x3FFE];
	[sflag:s23] =	ssyncadd.s32 $0xFFFFFFFF  }
0xa5: {  	s26 =	simm.s32 $execute0_lowered;
	[smem:$0x3FD2] =	sst s25  }
0xa6: {  	s4 =	sshll.u32 s26, $0x1;
	_ =	strace $0x8000004C;
	[dreg:$0x1] =	wrdreg $0xFFFFFFFF  }
0xa7: {  	s28 =	simm.s32 $_size_execute0_lowered;
	s2 =	sadd.s32 s2, s4;
	[dreg:$0x0] =	wrdreg $0x0  }
0xa8: {  	s4 =	sshll.u32 s28, $0x1;
	[dreg:$0x2] =	wrdreg s2  }
0xa9: {  	[dreg:$0x3] =	wrdreg s4  }
0xaa: {  	[dreg:$0x4] =	wrdreg $0xC0  }
0xab: {  	_ =	task [dreg:s6], $0x5FFFF  }
0xac: {  	[dreg:$0x1] =	wrdreg $0xFFFFFFFF  }
0xad: {  	[dreg:$0x0] =	wrdreg $0x60  }
0xae: {  	[dreg:$0x2] =	wrdreg s24  }
0xaf: {  	[dreg:$0x3] =	wrdreg $0xA8000  }
0xb0: {  	[dreg:$0x4] =	wrdreg $0x9  }
0xb1: {  	_ =	task.clear_ibuf [dreg:s6], $0x5FFFF;
	_ =	strace $0x9000004C  }
0xb2: {  	s29 =	simm.s32 $0x9;
	_ =	strace $0x8000004E  }
0xb3: {  	_ =	swait.ge [sflag:s29], $0x1  }
0xb4: {  	[sflag:s29] =	ssyncadd.s32 $0xFFFFFFFF  }
0xb5: {  	_ =	strace $0x9000004E  }
0xb6: {  	_ =	sfence  }
0xb7: {  	s30 =	sld [smem:$0x0];
	_ =	sdelay $0x2  }
0xb8: {  	s31 =	sshll.u32 s1, $0xD;
	s1 =	sshrl.u32 s1, $0x2  }
0xb9: {  	s3 =	sand.u32 $0x4000, s31;
	s1 =	sadd.s32 s1, s30  }
0xba: {  	s0 =	sor.u32 s3, s0;
	s1 =	sshll.u32 s1, $0x11  }
0xbb: {  	s0 =	sor.u32 s1, s0  }
0xbc: {  	s0 =	sadd.s32 $0x8F2B, s0  }
0xbd: {  	[sflag:s0] =	ssyncadd.remote.s32 $0x1  }
0xbe: {  	_ =	sfence.sel $0xFFFF  }
0xbf: {  	[dreg:$0x0] =	wrdreg $0xFFFFFFFF;
	(pc) =	sbr.abs _section_cstart, $3  }
0xc0: {  	[dreg:$0x1] =	wrdreg $0xFFFFFFFF  }
0xc1: {  	_ =	task.clear_ibuf [dreg:s6], $0x2FFFF;
	_ =	strace $0x9FFFFFFF  }
0xc2: {  	(tm) =	ssettm $0x7FFFFFFF  }
0xc3: {  	_ =	shalt  }
tec
execute0_lowered:
.L_overlay_start_1:
0x0: {  	(tag) =	ssettag $0x1  }
0x1: {  	s6 =	rddreg [dreg:$0x0]  }
0x2: {  	s2 =	rddreg [dreg:$0x1]  }
0x3: {  	s3 =	simm.s32 $0x0;
	s0 =	stileid.u32;
	s7 =	srdreg.scid  }
0x4: {  	s17 =	simm.s32 $0x3;
	s18 =	simm.s32 $0x1400;
	s19 =	simm.s32 $0x80  }
0x5: {  	s20 =	simm.s32 $0x2800;
	s21 =	simm.s32 $0x1;
	s22 =	simm.s32 $0x6800  }
0x6: {  	s28 =	simm.s32 $0x2700;
	s29 =	simm.s32 $0x2780;
	s30 =	simm.s32 $0x0  }
0x7: {  	[smem:$0x7FF] =	sst s3;
	s4 =	sadd.s32 $0x20200, s6;
	s5 =	smul.u32 $0x2780, s0  }
0x8: {  	s12 =	sadd.s32 $0x16200, s6;
	s13 =	sadd.s32 $0x2200, s6;
	s8 =	smul.u32 $0x4F000, s0  }
0x9: {  	s7 =	sand.u32 $0x1, s7;
	s9 =	sadd.s32 $0x6EE00, s6;
	s15 =	smul.u32 $0x13800, s0  }
0xa: {  	s26 =	smul.u32 $0x4E000, s0;
	p0 =	seq.s32 s0, $0xF;
	_ =	strace $0x8000004D  }
0xb: {  	s10 =	ssub.s32 $0x2, s7;
	s11 =	smul.u32 $0x138800, s7;
	s7 =	sshll.u32 s7, $0x4  }
0xc: {  	s5 =	sadd.s32 s5, s6;
	s14 =	sshrl.u32 s10, $0x1;
	s23 =	sor.u32 s0, s7  }
0xd: {  	s24 =	sshrl.u32 s8, $0x2;
	s6 =	sadd.s32 $0x6C480, s6;
	s8 =	sshrl.u32 s26, $0x2  }
0xe: {  	s26 =	simm.s32 $0x1380;
	s10 =	ssub.s32 s10, s14;
	s16 =	sadd.s32 s24, s2  }
0xf: {  	s5 =	sadd.s32 $0x47400, s5;
	s25 =	sadd.s32 s15, s11;
	s15 =	sadd.s32 $0x128400, s2  }
0x10: {  	s11 =	sshrl.u32 s11, $0x3;
	s31 =	smul.u32 $0x500, s23;
	s24 =	sadd.s32 $0x124800, s2  }
0x11: {  	s23 =	simm.s32 $0x2;
	s7 =	sshrl.u32 s25, $0x3;
	s25 =	sadd.s32 s8, s2  }
0x12: {  	s16 =	sshrl.u32 @!p0 s16, $0x3;
	s7 =	sadd.s32 s9, s7;
	s9 =	sadd.s32 s9, s11  }
0x13: {  	s14 =	sadd.s32 $0x280, s31;
	s11 =	sadd.s32 s13, s31;
	s8 =	sadd.s32 $0x24900, s9  }
0x14: {  	s9 =	smax.u32 s10, $0x1;
	s10 =	sadd.s32 s12, s31;
	s12 =	sadd.s32 s12, s14  }
0x15: {  	s13 =	sadd.s32 s13, s14;
	s14 =	sshrl.u32 @p0 s15, $0x3;
	s15 =	sshll.u32 @!p0 s0, $0x6  }
0x16: {  	s24 =	sshrl.u32 @p0 s24, $0x3;
	s25 =	sshrl.u32 @!p0 s25, $0x3;
	s15 =	sor.u32 @!p0 $0x1C03, s15  }
.LBB2_1:
0x17: {  	s31 =	simm.s32 @p0 $0x1FC3  }
0x18: {  	[spmem:s14], [sflag:s31] =	dma.local @p0 [hbm:s6], $0x2880  }
0x19: {  	s31 =	simm.s32 @p0 $0x3  }
0x1a: {  	_ =	swait.ge @p0 [sflag:s31], $0x2880  }
0x1b: {  	[sflag:s31] =	ssyncset.done @p0 $0x0  }
0x1c: {  	[sflag:s31] =	ssyncadd.s32 @p0 $0xFFFFD780;
	s31 =	simm.s32 @!p0 $0x3  }
0x1d: {  	[spmem:s16], [sflag:s15] =	dma.local @!p0 [hbm:s5], $0x2780  }
0x1e: {  	_ =	swait.ge @!p0 [sflag:s31], $0x2780  }
0x1f: {  	[sflag:s31] =	ssyncset.done @!p0 $0x0  }
0x20: {  	[sflag:s31] =	ssyncadd.s32 @!p0 $0xFFFFD880  }
0x21: {  	[bflag:$0x0] =	sbarrier.arrive $0xFFFF  }
0x22: {  	[tilespmem:s3], [sflag:$0x3] =	stream.linear.gather [hbm4b:s10+s3], $0x1400, $0x38;
	[tilespmem:$0x1E480] =	vst v63  }
0x23: {  	_ =	swait.ge [sflag:s17], $0x1400  }
0x24: {  	[sflag:s17] =	ssyncset.done $0x0  }
0x25: {  	[sflag:s17] =	ssyncadd.s32 $0xFFFFEC00  }
0x26: {  	[tilespmem:s18], [sflag:$0x3] =	stream.linear.gather [hbm4b:s11+s3], $0x1400, $0x38;
	[tilespmem:$0x1E480] =	vst v63  }
0x27: {  	_ =	swait.ge [sflag:s17], $0x1400  }
0x28: {  	[sflag:s17] =	ssyncset.done $0x0  }
0x29: {  	[sflag:s17] =	ssyncadd.s32 $0xFFFFEC00  }
0x2a: {  	[tilespmem:s20], [sflag:$0x1] =	stream.indirect.gather [hbm4b:s4+s19], $0x80, s3, s19, $0xb8;
	[tilespmem:$0x1E480] =	vst v63  }
0x2b: {  	_ =	swait.ge [sflag:s21], $0x4000  }
0x2c: {  	[sflag:s21] =	ssyncset.done $0x0  }
0x2d: {  	s31 =	simm.s32 $0x80;
	[sflag:s21] =	ssyncadd.s32 $0xFFFFC000  }
0x2e: {  	[tilespmem:s22], [sflag:$0x2] =	stream.indirect.gather [hbm4b:s4+s19], $0x80, s31, s19, $0xb8;
	[tilespmem:$0x1E480] =	vst v63  }
0x2f: {  	s31 =	simm.s32 $0x1400  }
0x30: {  	[spmem:s2] =	stream.indirect.scatter.add.f32 [tilespmem:s20], [sflag:$0x3], $0x80, s31, s19, $0xb8;
	[tilespmem:$0x1E480] =	vst v63  }
0x31: {  	_ =	swait.ge [sflag:s17], $0x4000  }
0x32: {  	[sflag:s17] =	ssyncset.done $0x0  }
0x33: {  	[sflag:s17] =	ssyncadd.s32 $0xFFFFC000  }
0x34: {  	_ =	swait.ge [sflag:s23], $0x4000  }
0x35: {  	[sflag:s23] =	ssyncset.done $0x0  }
0x36: {  	s31 =	simm.s32 $0x100;
	[sflag:s23] =	ssyncadd.s32 $0xFFFFC000  }
0x37: {  	[tilespmem:s20], [sflag:$0x1] =	stream.indirect.gather [hbm4b:s4+s19], $0x80, s31, s19, $0xb8;
	[tilespmem:$0x1E480] =	vst v63  }
0x38: {  	s31 =	simm.s32 $0x1480  }
0x39: {  	[spmem:s2] =	stream.indirect.scatter.add.f32 [tilespmem:s22], [sflag:$0x3], $0x80, s31, s19, $0xb8;
	[tilespmem:$0x1E480] =	vst v63  }
0x3a: {  	_ =	swait.ge [sflag:s17], $0x4000  }
0x3b: {  	s31 =	simm.s32 $0x400;
	[sflag:s17] =	ssyncset.done $0x0  }
.LBB2_2:
0x3c: {  	p1 =	sne.s32 s31, $0x4800  }
0x3d: {  	[sflag:s17] =	ssyncadd.s32 $0xFFFFC000;
	s0 =	smov.u32 s31;
	s31 =	sadd.s32 $0x400, s31  }
0x3e: {  	_ = 	snop  }
0x3f: {  	_ =	swait.ge [sflag:s21], $0x4000  }
0x40: {  	s0 =	sshra.s32 s0, $0x2;
	[sflag:s21] =	ssyncset.done $0x0  }
0x41: {  	s1 =	sadd.s32 $0x80, s0;
	[sflag:s21] =	ssyncadd.s32 $0xFFFFC000  }
0x42: {  	[tilespmem:s22], [sflag:$0x2] =	stream.indirect.gather [hbm4b:s4+s19], $0x80, s1, s19, $0xb8;
	[tilespmem:$0x1E480] =	vst v63  }
0x43: {  	s1 =	sadd.s32 $0x1400, s0  }
0x44: {  	[spmem:s2] =	stream.indirect.scatter.add.f32 [tilespmem:s20], [sflag:$0x3], $0x80, s1, s19, $0xb8;
	[tilespmem:$0x1E480] =	vst v63  }
0x45: {  	_ =	swait.ge [sflag:s17], $0x4000  }
0x46: {  	[sflag:s17] =	ssyncset.done $0x0  }
0x47: {  	[sflag:s17] =	ssyncadd.s32 $0xFFFFC000  }
0x48: {  	_ =	swait.ge [sflag:s23], $0x4000  }
0x49: {  	[sflag:s23] =	ssyncset.done $0x0  }
0x4a: {  	s1 =	sadd.s32 $0x100, s0;
	[sflag:s23] =	ssyncadd.s32 $0xFFFFC000  }
0x4b: {  	[tilespmem:s20], [sflag:$0x1] =	stream.indirect.gather [hbm4b:s4+s19], $0x80, s1, s19, $0xb8;
	[tilespmem:$0x1E480] =	vst v63  }
.Ltmp0:
0x4c: {  	_ = 	snop;
	(pc) =	sbr.rel @p1 .LBB2_2-.Ltmp0, $4  }
0x4d: {  	s0 =	sadd.s32 $0x1480, s0  }
0x4e: {  	[spmem:s2] =	stream.indirect.scatter.add.f32 [tilespmem:s22], [sflag:$0x3], $0x80, s0, s19, $0xb8;
	[tilespmem:$0x1E480] =	vst v63  }
0x4f: {  	_ =	swait.ge [sflag:s17], $0x4000  }
0x50: {  	[sflag:s17] =	ssyncset.done $0x0  }
0x51: {  	[sflag:s17] =	ssyncadd.s32 $0xFFFFC000  }
0x52: {  	_ =	swait.ge [sflag:s21], $0x4000  }
0x53: {  	[sflag:s21] =	ssyncset.done $0x0  }
0x54: {  	[sflag:s21] =	ssyncadd.s32 $0xFFFFC000  }
0x55: {  	[tilespmem:s22], [sflag:$0x2] =	stream.indirect.gather [hbm4b:s4+s19], $0x80, s26, s19, $0xb8;
	[tilespmem:$0x1E480] =	vst v63  }
0x56: {  	_ = 	snop  }
0x57: {  	[spmem:s2] =	stream.indirect.scatter.add.f32 [tilespmem:s20], [sflag:$0x3], $0x80, s28, s19, $0xb8;
	[tilespmem:$0x1E480] =	vst v63  }
0x58: {  	_ =	swait.ge [sflag:s17], $0x4000  }
0x59: {  	[sflag:s17] =	ssyncset.done $0x0  }
0x5a: {  	[sflag:s17] =	ssyncadd.s32 $0xFFFFC000  }
0x5b: {  	_ =	swait.ge [sflag:s23], $0x4000  }
0x5c: {  	[sflag:s23] =	ssyncset.done $0x0  }
0x5d: {  	[sflag:s23] =	ssyncadd.s32 $0xFFFFC000  }
0x5e: {  	[spmem:s2] =	stream.indirect.scatter.add.f32 [tilespmem:s22], [sflag:$0x3], $0x80, s29, s19, $0xb8;
	[tilespmem:$0x1E480] =	vst v63  }
0x5f: {  	_ =	swait.ge [sflag:s17], $0x4000  }
0x60: {  	[sflag:s17] =	ssyncset.done $0x0  }
0x61: {  	s0 =	simm.s32 $0x0;
	[sflag:s17] =	ssyncadd.s32 $0xFFFFC000  }
0x62: {  	[tilespmem:s0], [sflag:$0x3] =	stream.linear.gather [hbm4b:s12+s0], $0x1400, $0x38;
	[tilespmem:$0x1E480] =	vst v63  }
0x63: {  	_ =	swait.ge [sflag:s17], $0x1400  }
0x64: {  	[sflag:s17] =	ssyncset.done $0x0  }
0x65: {  	[sflag:s17] =	ssyncadd.s32 $0xFFFFEC00  }
0x66: {  	[tilespmem:s18], [sflag:$0x3] =	stream.linear.gather [hbm4b:s13+s0], $0x1400, $0x38;
	[tilespmem:$0x1E480] =	vst v63  }
0x67: {  	_ =	swait.ge [sflag:s17], $0x1400  }
0x68: {  	[sflag:s17] =	ssyncset.done $0x0  }
0x69: {  	[sflag:s17] =	ssyncadd.s32 $0xFFFFEC00  }
0x6a: {  	[tilespmem:s20], [sflag:$0x1] =	stream.indirect.gather [hbm4b:s4+s19], $0x80, s0, s19, $0xb8;
	[tilespmem:$0x1E480] =	vst v63  }
0x6b: {  	_ =	swait.ge [sflag:s21], $0x4000  }
0x6c: {  	[sflag:s21] =	ssyncset.done $0x0  }
0x6d: {  	s1 =	simm.s32 $0x80;
	[sflag:s21] =	ssyncadd.s32 $0xFFFFC000  }
0x6e: {  	[tilespmem:s22], [sflag:$0x2] =	stream.indirect.gather [hbm4b:s4+s19], $0x80, s1, s19, $0xb8;
	[tilespmem:$0x1E480] =	vst v63  }
0x6f: {  	s1 =	simm.s32 $0x1400  }
0x70: {  	[spmem:s2] =	stream.indirect.scatter.add.f32 [tilespmem:s20], [sflag:$0x3], $0x80, s1, s19, $0xb8;
	[tilespmem:$0x1E480] =	vst v63  }
0x71: {  	_ =	swait.ge [sflag:s17], $0x4000  }
0x72: {  	[sflag:s17] =	ssyncset.done $0x0  }
0x73: {  	[sflag:s17] =	ssyncadd.s32 $0xFFFFC000  }
0x74: {  	_ =	swait.ge [sflag:s23], $0x4000  }
0x75: {  	[sflag:s23] =	ssyncset.done $0x0  }
0x76: {  	s1 =	simm.s32 $0x100;
	[sflag:s23] =	ssyncadd.s32 $0xFFFFC000  }
0x77: {  	[tilespmem:s20], [sflag:$0x1] =	stream.indirect.gather [hbm4b:s4+s19], $0x80, s1, s19, $0xb8;
	[tilespmem:$0x1E480] =	vst v63  }
0x78: {  	s1 =	simm.s32 $0x1480  }
0x79: {  	[spmem:s2] =	stream.indirect.scatter.add.f32 [tilespmem:s22], [sflag:$0x3], $0x80, s1, s19, $0xb8;
	[tilespmem:$0x1E480] =	vst v63  }
0x7a: {  	_ =	swait.ge [sflag:s17], $0x4000  }
0x7b: {  	s31 =	simm.s32 $0x400;
	[sflag:s17] =	ssyncset.done $0x0  }
.LBB2_4:
0x7c: {  	p1 =	sne.s32 s31, $0x4800  }
0x7d: {  	[sflag:s17] =	ssyncadd.s32 $0xFFFFC000;
	s0 =	smov.u32 s31;
	s31 =	sadd.s32 $0x400, s31  }
0x7e: {  	_ = 	snop  }
0x7f: {  	_ =	swait.ge [sflag:s21], $0x4000  }
0x80: {  	s0 =	sshra.s32 s0, $0x2;
	[sflag:s21] =	ssyncset.done $0x0  }
0x81: {  	s1 =	sadd.s32 $0x80, s0;
	[sflag:s21] =	ssyncadd.s32 $0xFFFFC000  }
0x82: {  	[tilespmem:s22], [sflag:$0x2] =	stream.indirect.gather [hbm4b:s4+s19], $0x80, s1, s19, $0xb8;
	[tilespmem:$0x1E480] =	vst v63  }
0x83: {  	s1 =	sadd.s32 $0x1400, s0  }
0x84: {  	[spmem:s2] =	stream.indirect.scatter.add.f32 [tilespmem:s20], [sflag:$0x3], $0x80, s1, s19, $0xb8;
	[tilespmem:$0x1E480] =	vst v63  }
0x85: {  	_ =	swait.ge [sflag:s17], $0x4000  }
0x86: {  	[sflag:s17] =	ssyncset.done $0x0  }
0x87: {  	[sflag:s17] =	ssyncadd.s32 $0xFFFFC000  }
0x88: {  	_ =	swait.ge [sflag:s23], $0x4000  }
0x89: {  	[sflag:s23] =	ssyncset.done $0x0  }
0x8a: {  	s1 =	sadd.s32 $0x100, s0;
	[sflag:s23] =	ssyncadd.s32 $0xFFFFC000  }
0x8b: {  	[tilespmem:s20], [sflag:$0x1] =	stream.indirect.gather [hbm4b:s4+s19], $0x80, s1, s19, $0xb8;
	[tilespmem:$0x1E480] =	vst v63  }
.Ltmp1:
0x8c: {  	_ = 	snop;
	(pc) =	sbr.rel @p1 .LBB2_4-.Ltmp1, $4  }
0x8d: {  	s0 =	sadd.s32 $0x1480, s0  }
0x8e: {  	[spmem:s2] =	stream.indirect.scatter.add.f32 [tilespmem:s22], [sflag:$0x3], $0x80, s0, s19, $0xb8;
	[tilespmem:$0x1E480] =	vst v63  }
0x8f: {  	_ =	swait.ge [sflag:s17], $0x4000  }
0x90: {  	[sflag:s17] =	ssyncset.done $0x0  }
0x91: {  	[sflag:s17] =	ssyncadd.s32 $0xFFFFC000  }
0x92: {  	_ =	swait.ge [sflag:s21], $0x4000  }
0x93: {  	[sflag:s21] =	ssyncset.done $0x0  }
0x94: {  	[sflag:s21] =	ssyncadd.s32 $0xFFFFC000  }
0x95: {  	[tilespmem:s22], [sflag:$0x2] =	stream.indirect.gather [hbm4b:s4+s19], $0x80, s26, s19, $0xb8;
	[tilespmem:$0x1E480] =	vst v63  }
0x96: {  	_ = 	snop  }
0x97: {  	[spmem:s2] =	stream.indirect.scatter.add.f32 [tilespmem:s20], [sflag:$0x3], $0x80, s28, s19, $0xb8;
	[tilespmem:$0x1E480] =	vst v63  }
0x98: {  	_ =	swait.ge [sflag:s17], $0x4000  }
0x99: {  	[sflag:s17] =	ssyncset.done $0x0  }
0x9a: {  	[sflag:s17] =	ssyncadd.s32 $0xFFFFC000  }
0x9b: {  	_ =	swait.ge [sflag:s23], $0x4000  }
0x9c: {  	[sflag:s23] =	ssyncset.done $0x0  }
0x9d: {  	[sflag:s23] =	ssyncadd.s32 $0xFFFFC000  }
0x9e: {  	[spmem:s2] =	stream.indirect.scatter.add.f32 [tilespmem:s22], [sflag:$0x3], $0x80, s29, s19, $0xb8;
	[tilespmem:$0x1E480] =	vst v63  }
0x9f: {  	_ =	swait.ge [sflag:s17], $0x4000  }
0xa0: {  	[sflag:s17] =	ssyncset.done $0x0  }
0xa1: {  	[sflag:s17] =	ssyncadd.s32 $0xFFFFC000  }
0xa2: {  	s0 =	simm.s32 @p0 $0x1FC3;
	[bflag:$0x0] =	sbarrier.arrive $0xFFFF  }
0xa3: {  	[hbm:s8], [sflag:s0] =	dma.local @p0 [spmem:s24], $0x2800  }
0xa4: {  	s0 =	simm.s32 @p0 $0x3  }
0xa5: {  	s30 =	sadd.s32 $0x1, s30;
	_ =	swait.ge @p0 [sflag:s0], $0x2800  }
0xa6: {  	p1 =	sne.s32 s30, s9;
	[sflag:s0] =	ssyncset.done @p0 $0x0  }
.Ltmp2:
0xa7: {  	[sflag:s0] =	ssyncadd.s32 @p0 $0xFFFFD800;
	s0 =	simm.s32 @!p0 $0x3;
	(pc) =	sbr.rel @p1 .LBB2_1-.Ltmp2, $4  }
0xa8: {  	[hbm:s7], [sflag:s15] =	dma.local @!p0 [spmem:s25], $0x2700  }
0xa9: {  	_ =	swait.ge @!p0 [sflag:s0], $0x2700  }
0xaa: {  	[sflag:s0] =	ssyncset.done @!p0 $0x0  }
0xab: {  	[sflag:s0] =	ssyncadd.s32 @!p0 $0xFFFFD900  }
0xac: {  	_ =	sfence.sel $0x180000  }
0xad: {  	[bflag:$0x0] =	sbarrier.arrive $0xFFFF  }
0xae: {  	_ =	strace $0x9000004D  }
0xaf: {  	s0 =	stileid.u32;
	[bflag:$0x2] =	sbarrier.arrive $0xFFFF  }
0xb0: {  	p0 =	sne.s32 s0, $0x0;
	s0 =	rddreg [dreg:$0x2]  }
0xb1: {  	s0 =	sadd.s32 @!p0 $0x100000, s0  }
0xb2: {  	[sflag:s0] =	ssyncadd.tile.s32 @!p0 $0x1;
	_ =	shalt  }
.Lfunc_end2:
_tile_overlayer_lowered:
.L_overlay_start_2:
0xb3: {  	(tag) =	ssettag $0x2  }
0xb4: {  	s0 =	rddreg [dreg:$0x0];
	s2 =	stileid.u32  }
0xb5: {  	s1 =	rddreg [dreg:$0x1];
	p0 =	sne.s32 s2, $0x0  }
0xb6: {  	s3 =	rddreg [dreg:$0x2];
	[bflag:$0x3] =	sbarrier.arrive $0xFFFF;
	s2 =	simm.s32 @!p0 $0x1C03  }
0xb7: {  	[timem:s3], [sflag:s2] =	dma.local @!p0 [hbm:s0], s1  }
0xb8: {  	s0 =	simm.s32 @!p0 $0x3  }
0xb9: {  	_ =	swait.ge @!p0 [sflag:s0], s1  }
0xba: {  	s1 =	ssub.s32 @!p0 $0x0, s1;
	[sflag:s0] =	ssyncset.done @!p0 $0x0  }
0xbb: {  	[sflag:s0] =	ssyncadd.s32 @!p0 s1  }
0xbc: {  	[bflag:$0x3] =	sbarrier.arrive $0xFFFF  }
0xbd: {  	_ =	shalt  }

// kernel: kernel.9.cloned.1.call-start
scs
__scs_entry_jumppad:
0x0: {  	(pc) =	sbr.rel $0x88, $3  }
0x1: {  	(tag) =	ssettag $0x0;
	lr =	simm.s32 $0x1  }
0x2: {  	[smem:$0x3F99] =	sst lr;
	_ =	strace $0xD0000000  }
0x3: {  	_ = 	snop  }
0x4: {  	_ = 	snop  }
0x5: {  	_ = 	snop  }
0x6: {  	_ = 	snop  }
0x7: {  	_ = 	snop  }
__scs_overlays_trampoline_lowered:
0x8: {  	[smem:$0x3FA8] =	sst s0  }
0x9: {  	[smem:$0x3FA9] =	sst s1  }
0xa: {  	[smem:$0x3FAA] =	sst s2  }
0xb: {  	[smem:$0x3FAB] =	sst s3  }
0xc: {  	[smem:$0x3FAC] =	sst s4  }
0xd: {  	[smem:$0x3FAD] =	sst s5  }
0xe: {  	[smem:$0x3FAE] =	sst s6  }
0xf: {  	[smem:$0x3FAF] =	sst s7  }
0x10: {  	[smem:$0x3FB0] =	sst s8  }
0x11: {  	[smem:$0x3FB1] =	sst s9;
	s0 =	simm.s32 @!p0 $0x0  }
0x12: {  	s1 =	sld [smem:$0x3F97];
	s0 =	simm.s32 @p0 $0x1  }
0x13: {  	[smem:$0x3FB2] =	sst s0;
	s0 =	simm.s32 @!p1 $0x0  }
0x14: {  	s2 =	sld [smem:$0x3F96];
	s0 =	simm.s32 @p1 $0x1  }
0x15: {  	[smem:$0x3FB3] =	sst s0;
	s0 =	simm.s32 @!p2 $0x0  }
0x16: {  	s3 =	sld [smem:$0x3FDB];
	s0 =	simm.s32 @p2 $0x1  }
0x17: {  	s4 =	simm.s32 $0x1BF5;
	[smem:$0x3FB5] =	sst s0  }
0x18: {  	s0 =	sld [smem:$0x3F98];
	_ =	swait.ge [sflag:s4], $0x0  }
0x19: {  	s7 =	sld [smem:$0x3F99]  }
0x1a: {  	s8 =	sadd.s32 $0xFFFFE003, lr  }
0x1b: {  	s9 =	sadd.s32 $0xFFFFFEF7, lr;
	s5 =	simm.s32 $0xFFFFFFFF;
	p2 =	slt.u32 s8, $0xFFFFF086  }
0x1c: {  	p1 =	slt.u32 s9, $0xF7A;
	s5 =	simm.s32 @!p2 $0x0  }
0x1d: {  	s5 =	simm.s32 @p1 $0x1;
	p0 =	seq.s32 s7, s2  }
0x1e: {  	s7 =	smul.u32 @!p0 $0xF7A, s2;
	p2 =	seq.s32 @!p0 s5, $0x0  }
0x1f: {  	s9 =	smul.u32 $0xF7A, s1;
	s8 =	simm.s32 @!p0 $0x1BF5;
	p2 =	por !p2, p0  }
0x20: {  	[sflag:s8] =	ssyncset.s32 @!p0 $0xFFFFF086;
	s6 =	sadd.s32 @!p0 s3, s7;
	s7 =	simm.s32 @!p0 $0x108  }
0x21: {  	s3 =	sadd.s32 s3, s9;
	s6 =	sadd.s32 @!p0 $0x88, s6;
	s7 =	simm.s32 @p2 $0x1082  }
0x22: {  	[simem:s7], [sflag:s8] =	dma.local @!p0 [hbm:s6], $0xF7A  }
0x23: {  	s9 =	sor.u32 $0xD0000000, s2;
	s6 =	simm.s32 $0x108;
	_ =	swait.ge @!p0 [sflag:s8], $0x0  }
0x24: {  	s3 =	sadd.s32 $0x88, s3;
	s6 =	simm.s32 @!p1 $0x1082;
	[sflag:s4] =	ssyncset.s32 $0xFFFFF086  }
0x25: {  	[simem:s6], [sflag:s4] =	dma.local [hbm:s3], $0xF7A  }
0x26: {  	[smem:$0x3F99] =	sst s1;
	(tag) =	ssettag s2;
	_ =	strace s9  }
0x27: {  	s1 =	sld [smem:$0x3FA9]  }
0x28: {  	s2 =	sld [smem:$0x3FAA]  }
0x29: {  	s4 =	sld [smem:$0x3FAC]  }
0x2a: {  	p0 =	seq.s32 s5, $0x0;
	s5 =	sld [smem:$0x3FAD]  }
0x2b: {  	s6 =	sld [smem:$0x3FAE]  }
0x2c: {  	s7 =	sld [smem:$0x3FAF]  }
0x2d: {  	s3 =	simm.s32 $0x108;
	s8 =	sld [smem:$0x3FB0]  }
0x2e: {  	s3 =	simm.s32 @!p0 $0x1082;
	s9 =	sld [smem:$0x3FB1]  }
0x2f: {  	lr =	sadd.s32 s0, s3;
	s0 =	sld [smem:$0x3FA8]  }
0x30: {  	s3 =	sld [smem:$0x3FAB]  }
0x31: {  	[smem:$0x3FB4] =	sst s10  }
0x32: {  	s10 =	sld [smem:$0x3FB2];
	_ =	sdelay $0x3  }
0x33: {  	p0 =	seq.s32 s10, $0x1;
	s10 =	sld [smem:$0x3FB4];
	_ =	sdelay $0x3  }
0x34: {  	[smem:$0x3FB4] =	sst s10  }
0x35: {  	s10 =	sld [smem:$0x3FB3];
	_ =	sdelay $0x3  }
0x36: {  	p1 =	seq.s32 s10, $0x1;
	s10 =	sld [smem:$0x3FB4];
	_ =	sdelay $0x3  }
0x37: {  	[smem:$0x3FB4] =	sst s10  }
0x38: {  	s10 =	sld [smem:$0x3FB5]  }
0x39: {  	_ = 	snop;
	(pc) =	sbr.ind lr, $3  }
0x3a: {  	_ = 	snop  }
0x3b: {  	_ = 	snop  }
0x3c: {  	p2 =	seq.s32 s10, $0x1;
	s10 =	sld [smem:$0x3FB4]  }
0x3d: {  	_ =	shalt  }
0x3e: {  	_ =	shalt  }
0x3f: {  	_ =	shalt  }
0x40: {  	_ =	shalt  }
0x41: {  	_ =	shalt  }
0x42: {  	_ =	shalt  }
0x43: {  	_ =	shalt  }
0x44: {  	_ =	shalt  }
0x45: {  	_ =	shalt  }
0x46: {  	_ =	shalt  }
0x47: {  	_ =	shalt  }
0x48: {  	_ =	shalt  }
0x49: {  	_ =	shalt  }
0x4a: {  	_ =	shalt  }
0x4b: {  	_ =	shalt  }
0x4c: {  	_ =	shalt  }
0x4d: {  	_ =	shalt  }
0x4e: {  	_ =	shalt  }
0x4f: {  	_ =	shalt  }
0x50: {  	_ =	shalt  }
0x51: {  	_ =	shalt  }
0x52: {  	_ =	shalt  }
0x53: {  	_ =	shalt  }
0x54: {  	_ =	shalt  }
0x55: {  	_ =	shalt  }
0x56: {  	_ =	shalt  }
0x57: {  	_ =	shalt  }
0x58: {  	_ =	shalt  }
0x59: {  	_ =	shalt  }
0x5a: {  	_ =	shalt  }
0x5b: {  	_ =	shalt  }
0x5c: {  	_ =	shalt  }
0x5d: {  	_ =	shalt  }
0x5e: {  	_ =	shalt  }
0x5f: {  	_ =	shalt  }
0x60: {  	_ =	shalt  }
0x61: {  	_ =	shalt  }
0x62: {  	_ =	shalt  }
0x63: {  	_ =	shalt  }
0x64: {  	_ =	shalt  }
0x65: {  	_ =	shalt  }
0x66: {  	_ =	shalt  }
0x67: {  	_ =	shalt  }
0x68: {  	_ =	shalt  }
0x69: {  	_ =	shalt  }
0x6a: {  	_ =	shalt  }
0x6b: {  	_ =	shalt  }
0x6c: {  	_ =	shalt  }
0x6d: {  	_ =	shalt  }
0x6e: {  	_ =	shalt  }
0x6f: {  	_ =	shalt  }
0x70: {  	_ =	shalt  }
0x71: {  	_ =	shalt  }
0x72: {  	_ =	shalt  }
0x73: {  	_ =	shalt  }
0x74: {  	_ =	shalt  }
0x75: {  	_ =	shalt  }
0x76: {  	_ =	shalt  }
0x77: {  	_ =	shalt  }
0x78: {  	_ =	shalt  }
0x79: {  	_ =	shalt  }
0x7a: {  	_ =	shalt  }
0x7b: {  	_ =	shalt  }
0x7c: {  	_ =	shalt  }
0x7d: {  	_ =	shalt  }
0x7e: {  	_ =	shalt  }
0x7f: {  	_ =	shalt  }
0x80: {  	_ =	shalt  }
0x81: {  	_ =	shalt  }
0x82: {  	_ =	shalt  }
0x83: {  	_ =	shalt  }
0x84: {  	_ =	shalt  }
0x85: {  	_ =	shalt  }
0x86: {  	_ =	shalt  }
0x87: {  	_ =	shalt  }
.Lfunc_end0:
.L_simem_size_0:
called_computation_lowered:
.L_overlay_start_0:
0x88: {  	s2 =	sld [smem:$0x3FD9]  }
0x89: {  	s3 =	sld [smem:$0x3FFE];
	_ =	sdelay $0x1  }
0x8a: {  	s1 =	srdreg.scid  }
0x8b: {  	s0 =	sand.u32 $0x1, s1  }
0x8c: {  	s17 =	sshll.u32 s0, $0xA;
	s2 =	sadd.s32 s3, s2  }
0x8d: {  	s2 =	sadd.s32 s2, s17  }
0x8e: {  	[smem:$0x3FC0] =	sst s2  }
0x8f: {  	_ = 	snop  }
0x90: {  	s2 =	sld [smem:$0x3FD0];
	(tm) =	ssettm $0x1  }
0x91: {  	s18 =	sld [smem:$0x3FFB];
	_ =	sdelay $0x3  }
0x92: {  	_ =	strace s18  }
0x93: {  	s3 =	sld [smem:$0x3FFC];
	_ =	sdelay $0x3  }
0x94: {  	_ =	strace s3  }
0x95: {  	s3 =	sld [smem:$0x3FFD];
	_ =	sdelay $0x3  }
0x96: {  	_ =	strace s3  }
0x97: {  	_ =	strace $0x8FFFFFFF  }
0x98: {  	s19 =	sld [smem:$0x3FDB];
	_ =	sdelay $0x1  }
0x99: {  	s4 =	simm.s32 $_scs_section_size  }
0x9a: {  	s5 =	simm.s32 $_size__tile_overlayer_lowered;
	s6 =	simm.s32 $_tile_overlayer_lowered  }
0x9b: {  	s22 =	simm.s32 $0x1BFF;
	s21 =	sshll.u32 s6, $0x1;
	s3 =	sadd.s32 s4, s19  }
0x9c: {  	s7 =	simm.s32 $0x0;
	s20 =	sshll.u32 s5, $0x1;
	s5 =	sadd.s32 s21, s3  }
0x9d: {  	[timem:s7], [sflag:s22] =	dma.local [hbm:s5], s20  }
0x9e: {  	_ =	swait.ge [sflag:s22], s20  }
0x9f: {  	s4 =	ssub.s32 $0x0, s20;
	[sflag:s22] =	ssyncset.done $0x0  }
0xa0: {  	[sflag:s22] =	ssyncadd.s32 s4;
	_ =	sdelay $0x1  }
0xa1: {  	s23 =	simm.s32 $0x1B8B  }
0xa2: {  	_ =	swait.ge [sflag:s23], $0x1  }
0xa3: {  	[sflag:s23] =	ssyncset.done $0x0  }
0xa4: {  	s25 =	simm.s32 $0x1B8E;
	s24 =	sld [smem:$0x3FFE];
	[sflag:s23] =	ssyncadd.s32 $0xFFFFFFFF  }
0xa5: {  	s26 =	simm.s32 $execute0_lowered;
	[smem:$0x3FD2] =	sst s25  }
0xa6: {  	s5 =	sshll.u32 s26, $0x1;
	_ =	strace $0x80000046;
	[dreg:$0x1] =	wrdreg $0xFFFFFFFF  }
0xa7: {  	s28 =	simm.s32 $_size_execute0_lowered;
	s3 =	sadd.s32 s3, s5;
	[dreg:$0x0] =	wrdreg $0x0  }
0xa8: {  	s5 =	sshll.u32 s28, $0x1;
	[dreg:$0x2] =	wrdreg s3  }
0xa9: {  	[dreg:$0x3] =	wrdreg s5  }
0xaa: {  	[dreg:$0x4] =	wrdreg $0xC0  }
0xab: {  	_ =	task [dreg:s7], $0x5FFFF  }
0xac: {  	[dreg:$0x1] =	wrdreg $0xFFFFFFFF  }
0xad: {  	[dreg:$0x0] =	wrdreg $0x60  }
0xae: {  	[dreg:$0x2] =	wrdreg s24  }
0xaf: {  	[dreg:$0x3] =	wrdreg s2  }
0xb0: {  	[dreg:$0x4] =	wrdreg $0x9  }
0xb1: {  	_ =	task.clear_ibuf [dreg:s7], $0x5FFFF;
	_ =	strace $0x90000046  }
0xb2: {  	s29 =	simm.s32 $0x9;
	_ =	strace $0x80000048  }
0xb3: {  	_ =	swait.ge [sflag:s29], $0x1  }
0xb4: {  	[sflag:s29] =	ssyncadd.s32 $0xFFFFFFFF  }
0xb5: {  	_ =	strace $0x90000048  }
0xb6: {  	_ =	sfence  }
0xb7: {  	s30 =	sld [smem:$0x0];
	_ =	sdelay $0x2  }
0xb8: {  	s31 =	sshll.u32 s1, $0xD;
	s1 =	sshrl.u32 s1, $0x2  }
0xb9: {  	s3 =	sand.u32 $0x4000, s31;
	s1 =	sadd.s32 s1, s30  }
0xba: {  	s0 =	sor.u32 s3, s0;
	s1 =	sshll.u32 s1, $0x11  }
0xbb: {  	s0 =	sor.u32 s1, s0  }
0xbc: {  	s0 =	sadd.s32 $0x8F2B, s0  }
0xbd: {  	[sflag:s0] =	ssyncadd.remote.s32 $0x1  }
0xbe: {  	_ =	sfence.sel $0xFFFF  }
0xbf: {  	[dreg:$0x0] =	wrdreg $0xFFFFFFFF;
	(pc) =	sbr.abs _section_cstart, $3  }
0xc0: {  	[dreg:$0x1] =	wrdreg $0xFFFFFFFF  }
0xc1: {  	_ =	task.clear_ibuf [dreg:s7], $0x2FFFF;
	_ =	strace $0x9FFFFFFF  }
0xc2: {  	(tm) =	ssettm $0x7FFFFFFF  }
0xc3: {  	_ =	shalt  }
tec
execute0_lowered:
.L_overlay_start_1:
0x0: {  	(tag) =	ssettag $0x1  }
0x1: {  	s4 =	rddreg [dreg:$0x0];
	s1 =	srdreg.scid  }
0x2: {  	s2 =	rddreg [dreg:$0x1];
	s5 =	sand.u32 $0x1, s1  }
0x3: {  	s1 =	stileid.u32;
	s6 =	smul.u32 $0x28000, s5  }
0x4: {  	s0 =	rddreg [dreg:$0x2];
	s7 =	sshll.u32 s5, $0x4;
	s8 =	smul.u32 $0x2800, s1  }
0x5: {  	s3 =	simm.s32 $0x0;
	s9 =	simm.s32 $0x0;
	s7 =	sor.u32 s1, s7  }
0x6: {  	[smem:$0x7FF] =	sst s3;
	s7 =	smul.u32 $0x500, s7;
	s6 =	sadd.s32 s8, s6  }
0x7: {  	s5 =	ssub.s32 $0x2, s5;
	_ =	strace $0x80000047;
	s6 =	sshrl.u32 s6, $0x3  }
0x8: {  	s31 =	sshrl.u32 s5, $0x1;
	s7 =	sadd.s32 s7, s4;
	s6 =	sadd.s32 s6, s4  }
0x9: {  	s8 =	ssub.s32 s5, s31;
	s4 =	sadd.s32 $0x2200, s7;
	s5 =	sadd.s32 $0xC200, s6  }
0xa: {  	v0 =	vimm.f32 $1.000000000e+00;
	s6 =	smax.u32 s8, $0x1;
	s7 =	simm.s32 $0x2800;
	s8 =	simm.s32 $0x1  }
.LBB2_1:
0xb: {  	[tilespmem:s7], [sflag:$0x1] =	stream.linear.gather [hbm4b:s2+s3], $0x2800, $0x38;
	[tilespmem:$0x5000] =	vst v63  }
0xc: {  	_ =	swait.ge [sflag:s8], $0x2800  }
0xd: {  	[sflag:s8] =	ssyncset.done $0x0  }
0xe: {  	[sflag:s8] =	ssyncadd.s32 $0xFFFFD800  }
0xf: {  	[tilespmem:s3], [sflag:$0x1] =	stream.linear.gather [hbm4b:s4+s3], $0x2800, $0x38;
	[tilespmem:$0x5000] =	vst v63  }
0x10: {  	_ =	swait.ge [sflag:s8], $0x2800  }
0x11: {  	[sflag:s8] =	ssyncset.done $0x0  }
0x12: {  	s10 =	simm.s32 $0x0;
	[sflag:s8] =	ssyncadd.s32 $0xFFFFD800  }
.LBB2_2:
0x13: {  	s11 =	sshra.s32 s10, $0x2  }
0x14: {  	v1 =	vld [tilespmem:s11+$0x0];
	_ =	sdelay $0x7  }
0x15: {  	[tilespmem:v1+s7+$0x0] =	vst.idx.add.f32.msk $0xffff, v0  }
0x16: {  	v1 =	vld [tilespmem:s11+$0x10];
	_ =	sdelay $0x7  }
0x17: {  	[tilespmem:v1+s7+$0x0] =	vst.idx.add.f32.msk $0xffff, v0  }
0x18: {  	v1 =	vld [tilespmem:s11+$0x20];
	_ =	sdelay $0x7  }
0x19: {  	[tilespmem:v1+s7+$0x0] =	vst.idx.add.f32.msk $0xffff, v0  }
0x1a: {  	v1 =	vld [tilespmem:s11+$0x30];
	_ =	sdelay $0x7  }
0x1b: {  	[tilespmem:v1+s7+$0x0] =	vst.idx.add.f32.msk $0xffff, v0  }
0x1c: {  	v1 =	vld [tilespmem:s11+$0x40];
	_ =	sdelay $0x7  }
0x1d: {  	[tilespmem:v1+s7+$0x0] =	vst.idx.add.f32.msk $0xffff, v0  }
0x1e: {  	v1 =	vld [tilespmem:s11+$0x50];
	_ =	sdelay $0x7  }
0x1f: {  	[tilespmem:v1+s7+$0x0] =	vst.idx.add.f32.msk $0xffff, v0  }
0x20: {  	v1 =	vld [tilespmem:s11+$0x60];
	_ =	sdelay $0x7  }
0x21: {  	[tilespmem:v1+s7+$0x0] =	vst.idx.add.f32.msk $0xffff, v0  }
0x22: {  	v1 =	vld [tilespmem:s11+$0x70];
	_ =	sdelay $0x2  }
0x23: {  	p0 =	sne.s32 s10, $0x9E00  }
.Ltmp0:
0x24: {  	_ = 	snop;
	(pc) =	sbr.rel @p0 .LBB2_2-.Ltmp0, $2  }
0x25: {  	_ =	sdelay $0x2  }
0x26: {  	s10 =	sadd.s32 $0x200, s10;
	[tilespmem:v1+s7+$0x0] =	vst.idx.add.f32.msk $0xffff, v0  }
0x27: {  	s9 =	sadd.s32 $0x1, s9  }
0x28: {  	p0 =	sne.s32 s9, s6  }
.Ltmp1:
0x29: {  	_ = 	snop;
	(pc) =	sbr.rel @p0 .LBB2_1-.Ltmp1, $4  }
0x2a: {  	[hbm4b:s5+s3] =	stream.linear.scatter [tilespmem:s7], [sflag:$0x1], $0x2800, $0x38;
	[tilespmem:$0x5000] =	vst v63  }
0x2b: {  	_ =	swait.ge [sflag:s8], $0x2800  }
0x2c: {  	[sflag:s8] =	ssyncset.done $0x0  }
0x2d: {  	[sflag:s8] =	ssyncadd.s32 $0xFFFFD800  }
0x2e: {  	_ =	sfence.sel $0x180000  }
0x2f: {  	[bflag:$0x0] =	sbarrier.arrive $0xFFFF  }
0x30: {  	p0 =	sne.s32 s1, $0x0;
	_ =	strace $0x90000047  }
0x31: {  	s0 =	sadd.s32 @!p0 $0x100000, s0;
	[bflag:$0x2] =	sbarrier.arrive $0xFFFF  }
0x32: {  	[sflag:s0] =	ssyncadd.tile.s32 @!p0 $0x1;
	_ =	shalt  }
.Lfunc_end2:
_tile_overlayer_lowered:
.L_overlay_start_2:
0x33: {  	(tag) =	ssettag $0x2  }
0x34: {  	s0 =	rddreg [dreg:$0x0];
	s2 =	stileid.u32  }
0x35: {  	s1 =	rddreg [dreg:$0x1];
	p0 =	sne.s32 s2, $0x0  }
0x36: {  	s3 =	rddreg [dreg:$0x2];
	[bflag:$0x3] =	sbarrier.arrive $0xFFFF;
	s2 =	simm.s32 @!p0 $0x1C01  }
0x37: {  	[timem:s3], [sflag:s2] =	dma.local @!p0 [hbm:s0], s1  }
0x38: {  	s0 =	simm.s32 @!p0 $0x1  }
0x39: {  	_ =	swait.ge @!p0 [sflag:s0], s1  }
0x3a: {  	s1 =	ssub.s32 @!p0 $0x0, s1;
	[sflag:s0] =	ssyncset.done @!p0 $0x0  }
0x3b: {  	[sflag:s0] =	ssyncadd.s32 @!p0 s1  }
0x3c: {  	[bflag:$0x3] =	sbarrier.arrive $0xFFFF  }
0x3d: {  	_ =	shalt  }

</sc_bundles>
